<compile_context>
chip_gen: v7x
topology: tpu7x:2x2x1
jax: 0.10.2.dev20260603
libtpu: 0.0.44.dev20260713+nightly
codegen_flags: <defaults>
</compile_context>

<pallas_src>
import functools

import jax
import jax.numpy as jnp
from jax import lax
from jax.experimental import pallas as pl
from jax.experimental.pallas import tpu as pltpu
from jax.experimental.pallas import tpu_sc as plsc

BATCH = 4096
SEQ = 200
HIDDEN = 128
NCLASS = 100

NC = 2
NS = 16
NW = NC * NS
B_PER_W = BATCH // NW

NBUF = 3

CH0 = 128
CH1 = SEQ - CH0

_mesh = plsc.VectorSubcoreMesh(core_axis_name="c", subcore_axis_name="s")


@functools.partial(
    pl.kernel,
    mesh=_mesh,
    out_type=jax.ShapeDtypeStruct((BATCH, HIDDEN), jnp.float32),
    scratch_types=[
        pltpu.VMEM((B_PER_W, SEQ), jnp.int32),
        pltpu.VMEM((NBUF, SEQ, HIDDEN), jnp.float32),
        pltpu.VMEM((B_PER_W, HIDDEN), jnp.float32),
    ]
    + [pltpu.SemaphoreType.DMA] * NBUF,
)
def _pool_sc(x_hbm, table_hbm, out_hbm, idx_v, rows_v, sums_v, *sems):
    wid = lax.axis_index("s") * NC + lax.axis_index("c")
    base = wid * B_PER_W

    pltpu.sync_copy(x_hbm.at[pl.ds(base, B_PER_W)], idx_v)

    def start_row(r, buf):
        pltpu.async_copy(
            table_hbm.at[idx_v.at[r, pl.ds(0, CH0)]],
            rows_v.at[buf, pl.ds(0, CH0)],
            sems[buf],
        )
        pltpu.async_copy(
            table_hbm.at[idx_v.at[r, pl.ds(CH0, CH1)]],
            rows_v.at[buf, pl.ds(CH0, CH1)],
            sems[buf],
        )

    def wait_row(buf):
        pltpu.make_async_copy(
            table_hbm.at[pl.ds(0, SEQ)], rows_v.at[buf], sems[buf]
        ).wait()

    inv = jnp.float32(1.0 / SEQ)

    def accum_row(r, buf):
        def body(s, accs):
            return tuple(
                accs[h] + rows_v[buf, s, pl.ds(h * 16, 16)] for h in range(8)
            )
        accs = lax.fori_loop(
            0, SEQ, body, tuple(jnp.zeros((16,), jnp.float32) for _ in range(8))
        )
        for h in range(8):
            sums_v[r, pl.ds(h * 16, 16)] = accs[h] * inv

    for j in range(NBUF):
        start_row(j, j)

    NFULL = B_PER_W // NBUF

    def outer(ii, carry):
        r0 = NBUF * ii
        for j in range(NBUF):
            wait_row(j)
            accum_row(r0 + j, j)

            @pl.when(r0 + j + NBUF < B_PER_W)
            def _():
                start_row(r0 + j + NBUF, j)

        return carry

    lax.fori_loop(0, NFULL, outer, 0)
    for j in range(B_PER_W - NFULL * NBUF):
        wait_row(j)
        accum_row(NFULL * NBUF + j, j)

    pltpu.sync_copy(sums_v, out_hbm.at[pl.ds(base, B_PER_W)])


def _mm_body(p_ref, w_ref, b_ref, o_ref):
    o_ref[...] = (
        lax.dot_general(
            p_ref[...], w_ref[...],
            (((1,), (1,)), ((), ())),
            preferred_element_type=jnp.float32,
        )
        + b_ref[...]
    )


_mm = pl.pallas_call(
    _mm_body,
    grid=(8,),
    in_specs=[
        pl.BlockSpec((BATCH // 8, HIDDEN), lambda i: (i, 0)),
        pl.BlockSpec((NCLASS, HIDDEN), lambda i: (0, 0)),
        pl.BlockSpec((1, NCLASS), lambda i: (0, 0)),
    ],
    out_specs=pl.BlockSpec((BATCH // 8, NCLASS), lambda i: (i, 0)),
    out_shape=jax.ShapeDtypeStruct((BATCH, NCLASS), jnp.float32),
)


def kernel(x, table, W, b):
    pooled = _pool_sc(x, table)
    return _mm(pooled, W, b.reshape(1, NCLASS))

# --- scband reference (transcript-rebuilt; emitter-appended) ---
"""Pipeline reference for scband-bowclassifier-57647051047701 (READ-ONLY COPY).

The authoritative reference and input builder live on the scoring server;
editing this copy changes nothing except your own understanding.
"""

import jax, jax.numpy as jnp
import numpy as np

VOCAB_LEN = 100000
HIDDEN = 128
N_CLASSES = 100
BATCH = 4096
SEQ = 200

def setup_inputs(seed: int = 0) -> dict:
    key = jax.random.key(seed)
    k1, k2, k3 = jax.random.split(key, 3)
    x = jax.random.randint(k1, (BATCH, SEQ), 0, VOCAB_LEN, dtype=jnp.int32)
    # Embedding table: (vocab_len + 1, hidden_dim); padding_idx = vocab_len row is zeros
    table = jax.random.normal(k2, (VOCAB_LEN + 1, HIDDEN), dtype=jnp.float32) * 0.02
    table = table.at[VOCAB_LEN].set(0.0)
    W = jax.random.normal(k3, (N_CLASSES, HIDDEN), dtype=jnp.float32) * 0.02
    b = jnp.zeros((N_CLASSES,), dtype=jnp.float32)
    return {"x": x, "table": table, "W": W, "b": b}

def reference(x, table, W, b):
    # nn.Embedding lookup (gather)
    emb = jnp.take(table, x, axis=0)            # [B, S, H]
    # mean over sequence dim
    pooled = jnp.mean(emb, axis=1)              # [B, H]
    # linear layer
    out = pooled @ W.T + b                      # [B, n_classes]
    return out

if __name__ == "__main__":
    import jax
    _d = setup_inputs()
    print(jax.jit(kernel)(*tuple(_d.values())))

</pallas_src>

<mosaic_0001>
#map = affine_map<(d0, d1) -> (0, 0)>
module attributes {stable_mosaic.version = 14 : i64} {
  func.func @_pool_sc(%arg0: i32, %arg1: i32, %arg2: memref<4096x200xi32, #tpu.memory_space<hbm>>, %arg3: memref<100001x128xf32, #tpu.memory_space<hbm>>, %arg4: memref<4096x128xf32, #tpu.memory_space<hbm>>, %arg5: memref<128x200xi32, #tpu.memory_space<vmem>>, %arg6: memref<3x200x128xf32, #tpu.memory_space<vmem>>, %arg7: memref<128x128xf32, #tpu.memory_space<vmem>>, %arg8: memref<!tpu.dma_semaphore, #tpu.memory_space<semaphore_mem>>, %arg9: memref<!tpu.dma_semaphore, #tpu.memory_space<semaphore_mem>>, %arg10: memref<!tpu.dma_semaphore, #tpu.memory_space<semaphore_mem>>) attributes {dimension_semantics = [#tpu.dimension_semantics<core_parallel>, #tpu.dimension_semantics<subcore_parallel>], iteration_bounds = array<i64: 2, 16>, scalar_prefetch = 0 : i64, scratch_operands = 6 : i64, tpu.core_type = #tpu.core_type<sc_vector_subcore>, window_params = [{transform_indices = #map}, {transform_indices = #map}, {transform_indices = #map}]} {
    %mul3A = arith.constant 2 : i32
    %mul3A_0 = arith.muli %arg1, %mul3A : i32
    %add3A = arith.addi %mul3A_0, %arg0 : i32
    %mul3A_1 = arith.constant 128 : i32
    %mul3A_2 = arith.muli %add3A, %mul3A_1 : i32
    "tpu.region"() ({
      %run_scoped3A = tpu.sem_alloc : memref<!tpu.dma_semaphore, #tpu.memory_space<semaphore_mem>>
      %dma_start3A_295 = arith.constant 0 : i32
      %dma_start3A_296 = tpu.memref_slice %arg2[%mul3A_2, %dma_start3A_295] : memref<4096x200xi32, #tpu.memory_space<hbm>> -> memref<128x200xi32, #tpu.memory_space<hbm>>
      %dma_start3A_297 = arith.constant 0 : i32
      %dma_start3A_298 = tpu.memref_slice %arg2[%mul3A_2, %dma_start3A_297] : memref<4096x200xi32, #tpu.memory_space<hbm>> -> memref<128x200xi32, #tpu.memory_space<hbm>>
      tpu.enqueue_dma source(%dma_start3A_298 : memref<128x200xi32, #tpu.memory_space<hbm>>) target(%arg5 : memref<128x200xi32, #tpu.memory_space<vmem>>) target_semaphore(%run_scoped3A : memref<!tpu.dma_semaphore, #tpu.memory_space<semaphore_mem>>)
      %dma_wait3A_299 = arith.constant 0 : i32
      %dma_wait3A_300 = tpu.memref_slice %arg2[%mul3A_2, %dma_wait3A_299] : memref<4096x200xi32, #tpu.memory_space<hbm>> -> memref<128x200xi32, #tpu.memory_space<hbm>>
      %dma_wait3A_301 = arith.constant 0 : i32
      %dma_wait3A_302 = tpu.memref_slice %arg2[%mul3A_2, %dma_wait3A_301] : memref<4096x200xi32, #tpu.memory_space<hbm>> -> memref<128x200xi32, #tpu.memory_space<hbm>>
      tpu.wait_dma2 semaphore(%run_scoped3A : memref<!tpu.dma_semaphore, #tpu.memory_space<semaphore_mem>>) src(%dma_wait3A_302 : memref<128x200xi32, #tpu.memory_space<hbm>>) dst(%arg5 : memref<128x200xi32, #tpu.memory_space<vmem>>)
      tpu.yield
    }) : () -> ()
    %dma_start3A = arith.constant 0 : i32
    %dma_start3A_3 = arith.constant 0 : i32
    %dma_start3A_4 = arith.constant 0 : i32
    %dma_start3A_5 = arith.constant 0 : i32
    %dma_start3A_6 = tpu.memref_slice %arg6[%dma_start3A_3, %dma_start3A_4, %dma_start3A_5] : memref<3x200x128xf32, #tpu.memory_space<vmem>> -> memref<1x128x128xf32, #tpu.memory_space<vmem>>
    %dma_start3A_7 = tpu.memref_squeeze %dma_start3A_6 : memref<1x128x128xf32, #tpu.memory_space<vmem>> -> memref<128x128xf32, #tpu.memory_space<vmem>>
    %dma_start3A_8 = arith.constant 0 : i32
    %dma_start3A_9 = tpu.memref_slice %arg5[%dma_start3A, %dma_start3A_8] : memref<128x200xi32, #tpu.memory_space<vmem>> -> memref<1x128xi32, #tpu.memory_space<vmem>>
    %dma_start3A_10 = tpu.memref_squeeze %dma_start3A_9 : memref<1x128xi32, #tpu.memory_space<vmem>> -> memref<128xi32, #tpu.memory_space<vmem>>
    %dma_start3A_11 = arith.constant 0 : i32
    %dma_start3A_12 = arith.constant 0 : i32
    %dma_start3A_13 = tpu.memref_slice %arg3[%dma_start3A_11, %dma_start3A_12] : memref<100001x128xf32, #tpu.memory_space<hbm>> -> memref<100001x128xf32, #tpu.memory_space<hbm>>
    tpu.enqueue_indirect_dma source(%dma_start3A_13 : memref<100001x128xf32, #tpu.memory_space<hbm>>) target(%dma_start3A_7 : memref<128x128xf32, #tpu.memory_space<vmem>>) offsets(%dma_start3A_10 : memref<128xi32, #tpu.memory_space<vmem>>) semaphore(%arg8 : memref<!tpu.dma_semaphore, #tpu.memory_space<semaphore_mem>>)
    %dma_start3A_14 = arith.constant 0 : i32
    %dma_start3A_15 = arith.constant 0 : i32
    %dma_start3A_16 = arith.constant 128 : i32
    %dma_start3A_17 = arith.constant 0 : i32
    %dma_start3A_18 = tpu.memref_slice %arg6[%dma_start3A_15, %dma_start3A_16, %dma_start3A_17] : memref<3x200x128xf32, #tpu.memory_space<vmem>> -> memref<1x72x128xf32, #tpu.memory_space<vmem>>
    %dma_start3A_19 = tpu.memref_squeeze %dma_start3A_18 : memref<1x72x128xf32, #tpu.memory_space<vmem>> -> memref<72x128xf32, #tpu.memory_space<vmem>>
    %dma_start3A_20 = arith.constant 128 : i32
    %dma_start3A_21 = tpu.memref_slice %arg5[%dma_start3A_14, %dma_start3A_20] : memref<128x200xi32, #tpu.memory_space<vmem>> -> memref<1x72xi32, #tpu.memory_space<vmem>>
    %dma_start3A_22 = tpu.memref_squeeze %dma_start3A_21 : memref<1x72xi32, #tpu.memory_space<vmem>> -> memref<72xi32, #tpu.memory_space<vmem>>
    %dma_start3A_23 = arith.constant 0 : i32
    %dma_start3A_24 = arith.constant 0 : i32
    %dma_start3A_25 = tpu.memref_slice %arg3[%dma_start3A_23, %dma_start3A_24] : memref<100001x128xf32, #tpu.memory_space<hbm>> -> memref<100001x128xf32, #tpu.memory_space<hbm>>
    tpu.enqueue_indirect_dma source(%dma_start3A_25 : memref<100001x128xf32, #tpu.memory_space<hbm>>) target(%dma_start3A_19 : memref<72x128xf32, #tpu.memory_space<vmem>>) offsets(%dma_start3A_22 : memref<72xi32, #tpu.memory_space<vmem>>) semaphore(%arg8 : memref<!tpu.dma_semaphore, #tpu.memory_space<semaphore_mem>>)
    %dma_start3A_26 = arith.constant 1 : i32
    %dma_start3A_27 = arith.constant 1 : i32
    %dma_start3A_28 = arith.constant 0 : i32
    %dma_start3A_29 = arith.constant 0 : i32
    %dma_start3A_30 = tpu.memref_slice %arg6[%dma_start3A_27, %dma_start3A_28, %dma_start3A_29] : memref<3x200x128xf32, #tpu.memory_space<vmem>> -> memref<1x128x128xf32, #tpu.memory_space<vmem>>
    %dma_start3A_31 = tpu.memref_squeeze %dma_start3A_30 : memref<1x128x128xf32, #tpu.memory_space<vmem>> -> memref<128x128xf32, #tpu.memory_space<vmem>>
    %dma_start3A_32 = arith.constant 0 : i32
    %dma_start3A_33 = tpu.memref_slice %arg5[%dma_start3A_26, %dma_start3A_32] : memref<128x200xi32, #tpu.memory_space<vmem>> -> memref<1x128xi32, #tpu.memory_space<vmem>>
    %dma_start3A_34 = tpu.memref_squeeze %dma_start3A_33 : memref<1x128xi32, #tpu.memory_space<vmem>> -> memref<128xi32, #tpu.memory_space<vmem>>
    %dma_start3A_35 = arith.constant 0 : i32
    %dma_start3A_36 = arith.constant 0 : i32
    %dma_start3A_37 = tpu.memref_slice %arg3[%dma_start3A_35, %dma_start3A_36] : memref<100001x128xf32, #tpu.memory_space<hbm>> -> memref<100001x128xf32, #tpu.memory_space<hbm>>
    tpu.enqueue_indirect_dma source(%dma_start3A_37 : memref<100001x128xf32, #tpu.memory_space<hbm>>) target(%dma_start3A_31 : memref<128x128xf32, #tpu.memory_space<vmem>>) offsets(%dma_start3A_34 : memref<128xi32, #tpu.memory_space<vmem>>) semaphore(%arg9 : memref<!tpu.dma_semaphore, #tpu.memory_space<semaphore_mem>>)
    %dma_start3A_38 = arith.constant 1 : i32
    %dma_start3A_39 = arith.constant 1 : i32
    %dma_start3A_40 = arith.constant 128 : i32
    %dma_start3A_41 = arith.constant 0 : i32
    %dma_start3A_42 = tpu.memref_slice %arg6[%dma_start3A_39, %dma_start3A_40, %dma_start3A_41] : memref<3x200x128xf32, #tpu.memory_space<vmem>> -> memref<1x72x128xf32, #tpu.memory_space<vmem>>
    %dma_start3A_43 = tpu.memref_squeeze %dma_start3A_42 : memref<1x72x128xf32, #tpu.memory_space<vmem>> -> memref<72x128xf32, #tpu.memory_space<vmem>>
    %dma_start3A_44 = arith.constant 128 : i32
    %dma_start3A_45 = tpu.memref_slice %arg5[%dma_start3A_38, %dma_start3A_44] : memref<128x200xi32, #tpu.memory_space<vmem>> -> memref<1x72xi32, #tpu.memory_space<vmem>>
    %dma_start3A_46 = tpu.memref_squeeze %dma_start3A_45 : memref<1x72xi32, #tpu.memory_space<vmem>> -> memref<72xi32, #tpu.memory_space<vmem>>
    %dma_start3A_47 = arith.constant 0 : i32
    %dma_start3A_48 = arith.constant 0 : i32
    %dma_start3A_49 = tpu.memref_slice %arg3[%dma_start3A_47, %dma_start3A_48] : memref<100001x128xf32, #tpu.memory_space<hbm>> -> memref<100001x128xf32, #tpu.memory_space<hbm>>
    tpu.enqueue_indirect_dma source(%dma_start3A_49 : memref<100001x128xf32, #tpu.memory_space<hbm>>) target(%dma_start3A_43 : memref<72x128xf32, #tpu.memory_space<vmem>>) offsets(%dma_start3A_46 : memref<72xi32, #tpu.memory_space<vmem>>) semaphore(%arg9 : memref<!tpu.dma_semaphore, #tpu.memory_space<semaphore_mem>>)
    %dma_start3A_50 = arith.constant 2 : i32
    %dma_start3A_51 = arith.constant 2 : i32
    %dma_start3A_52 = arith.constant 0 : i32
    %dma_start3A_53 = arith.constant 0 : i32
    %dma_start3A_54 = tpu.memref_slice %arg6[%dma_start3A_51, %dma_start3A_52, %dma_start3A_53] : memref<3x200x128xf32, #tpu.memory_space<vmem>> -> memref<1x128x128xf32, #tpu.memory_space<vmem>>
    %dma_start3A_55 = tpu.memref_squeeze %dma_start3A_54 : memref<1x128x128xf32, #tpu.memory_space<vmem>> -> memref<128x128xf32, #tpu.memory_space<vmem>>
    %dma_start3A_56 = arith.constant 0 : i32
    %dma_start3A_57 = tpu.memref_slice %arg5[%dma_start3A_50, %dma_start3A_56] : memref<128x200xi32, #tpu.memory_space<vmem>> -> memref<1x128xi32, #tpu.memory_space<vmem>>
    %dma_start3A_58 = tpu.memref_squeeze %dma_start3A_57 : memref<1x128xi32, #tpu.memory_space<vmem>> -> memref<128xi32, #tpu.memory_space<vmem>>
    %dma_start3A_59 = arith.constant 0 : i32
    %dma_start3A_60 = arith.constant 0 : i32
    %dma_start3A_61 = tpu.memref_slice %arg3[%dma_start3A_59, %dma_start3A_60] : memref<100001x128xf32, #tpu.memory_space<hbm>> -> memref<100001x128xf32, #tpu.memory_space<hbm>>
    tpu.enqueue_indirect_dma source(%dma_start3A_61 : memref<100001x128xf32, #tpu.memory_space<hbm>>) target(%dma_start3A_55 : memref<128x128xf32, #tpu.memory_space<vmem>>) offsets(%dma_start3A_58 : memref<128xi32, #tpu.memory_space<vmem>>) semaphore(%arg10 : memref<!tpu.dma_semaphore, #tpu.memory_space<semaphore_mem>>)
    %dma_start3A_62 = arith.constant 2 : i32
    %dma_start3A_63 = arith.constant 2 : i32
    %dma_start3A_64 = arith.constant 128 : i32
    %dma_start3A_65 = arith.constant 0 : i32
    %dma_start3A_66 = tpu.memref_slice %arg6[%dma_start3A_63, %dma_start3A_64, %dma_start3A_65] : memref<3x200x128xf32, #tpu.memory_space<vmem>> -> memref<1x72x128xf32, #tpu.memory_space<vmem>>
    %dma_start3A_67 = tpu.memref_squeeze %dma_start3A_66 : memref<1x72x128xf32, #tpu.memory_space<vmem>> -> memref<72x128xf32, #tpu.memory_space<vmem>>
    %dma_start3A_68 = arith.constant 128 : i32
    %dma_start3A_69 = tpu.memref_slice %arg5[%dma_start3A_62, %dma_start3A_68] : memref<128x200xi32, #tpu.memory_space<vmem>> -> memref<1x72xi32, #tpu.memory_space<vmem>>
    %dma_start3A_70 = tpu.memref_squeeze %dma_start3A_69 : memref<1x72xi32, #tpu.memory_space<vmem>> -> memref<72xi32, #tpu.memory_space<vmem>>
    %dma_start3A_71 = arith.constant 0 : i32
    %dma_start3A_72 = arith.constant 0 : i32
    %dma_start3A_73 = tpu.memref_slice %arg3[%dma_start3A_71, %dma_start3A_72] : memref<100001x128xf32, #tpu.memory_space<hbm>> -> memref<100001x128xf32, #tpu.memory_space<hbm>>
    tpu.enqueue_indirect_dma source(%dma_start3A_73 : memref<100001x128xf32, #tpu.memory_space<hbm>>) target(%dma_start3A_67 : memref<72x128xf32, #tpu.memory_space<vmem>>) offsets(%dma_start3A_70 : memref<72xi32, #tpu.memory_space<vmem>>) semaphore(%arg10 : memref<!tpu.dma_semaphore, #tpu.memory_space<semaphore_mem>>)
    %scan3A = arith.constant 0 : i32
    %scan3A_74 = arith.constant 5.000000e-03 : f32
    %scan3A_75 = arith.constant 0 : i32
    %scan3A_76 = arith.constant 42 : i32
    %scan3A_77 = arith.addi %scan3A_75, %scan3A_76 : i32
    %scan3A_78 = arith.constant 1 : i32
    scf.for %scan3A_295 = %scan3A_75 to %scan3A_77 step %scan3A_78  : i32 {
      %mul3A_296 = arith.constant 3 : i32
      %mul3A_297 = arith.muli %mul3A_296, %scan3A_295 : i32
      %dma_wait3A_298 = arith.constant 0 : i32
      %dma_wait3A_299 = arith.constant 0 : i32
      %dma_wait3A_300 = arith.constant 0 : i32
      %dma_wait3A_301 = tpu.memref_slice %arg6[%dma_wait3A_298, %dma_wait3A_299, %dma_wait3A_300] : memref<3x200x128xf32, #tpu.memory_space<vmem>> -> memref<1x200x128xf32, #tpu.memory_space<vmem>>
      %dma_wait3A_302 = tpu.memref_squeeze %dma_wait3A_301 : memref<1x200x128xf32, #tpu.memory_space<vmem>> -> memref<200x128xf32, #tpu.memory_space<vmem>>
      %dma_wait3A_303 = arith.constant 0 : i32
      %dma_wait3A_304 = arith.constant 0 : i32
      %dma_wait3A_305 = tpu.memref_slice %arg3[%dma_wait3A_303, %dma_wait3A_304] : memref<100001x128xf32, #tpu.memory_space<hbm>> -> memref<200x128xf32, #tpu.memory_space<hbm>>
      %dma_wait3A_306 = arith.constant 0 : i32
      %dma_wait3A_307 = arith.constant 0 : i32
      %dma_wait3A_308 = tpu.memref_slice %arg6[%dma_wait3A_298, %dma_wait3A_306, %dma_wait3A_307] : memref<3x200x128xf32, #tpu.memory_space<vmem>> -> memref<1x200x128xf32, #tpu.memory_space<vmem>>
      %dma_wait3A_309 = tpu.memref_squeeze %dma_wait3A_308 : memref<1x200x128xf32, #tpu.memory_space<vmem>> -> memref<200x128xf32, #tpu.memory_space<vmem>>
      %dma_wait3A_310 = arith.constant 0 : i32
      %dma_wait3A_311 = arith.constant 0 : i32
      %dma_wait3A_312 = tpu.memref_slice %arg3[%dma_wait3A_310, %dma_wait3A_311] : memref<100001x128xf32, #tpu.memory_space<hbm>> -> memref<200x128xf32, #tpu.memory_space<hbm>>
      tpu.wait_dma2 semaphore(%arg8 : memref<!tpu.dma_semaphore, #tpu.memory_space<semaphore_mem>>) src(%dma_wait3A_312 : memref<200x128xf32, #tpu.memory_space<hbm>>) dst(%dma_wait3A_309 : memref<200x128xf32, #tpu.memory_space<vmem>>)
      %add3A_313 = arith.constant 0 : i32
      %add3A_314 = arith.addi %mul3A_297, %add3A_313 : i32
      %broadcast_in_dim3A_315 = arith.constant 0.000000e+00 : f32
      %broadcast_in_dim3A_316 = vector.broadcast %broadcast_in_dim3A_315 : f32 to vector<16xf32>
      %broadcast_in_dim3A_317 = arith.constant 0.000000e+00 : f32
      %broadcast_in_dim3A_318 = vector.broadcast %broadcast_in_dim3A_317 : f32 to vector<16xf32>
      %broadcast_in_dim3A_319 = arith.constant 0.000000e+00 : f32
      %broadcast_in_dim3A_320 = vector.broadcast %broadcast_in_dim3A_319 : f32 to vector<16xf32>
      %broadcast_in_dim3A_321 = arith.constant 0.000000e+00 : f32
      %broadcast_in_dim3A_322 = vector.broadcast %broadcast_in_dim3A_321 : f32 to vector<16xf32>
      %broadcast_in_dim3A_323 = arith.constant 0.000000e+00 : f32
      %broadcast_in_dim3A_324 = vector.broadcast %broadcast_in_dim3A_323 : f32 to vector<16xf32>
      %broadcast_in_dim3A_325 = arith.constant 0.000000e+00 : f32
      %broadcast_in_dim3A_326 = vector.broadcast %broadcast_in_dim3A_325 : f32 to vector<16xf32>
      %broadcast_in_dim3A_327 = arith.constant 0.000000e+00 : f32
      %broadcast_in_dim3A_328 = vector.broadcast %broadcast_in_dim3A_327 : f32 to vector<16xf32>
      %broadcast_in_dim3A_329 = arith.constant 0.000000e+00 : f32
      %broadcast_in_dim3A_330 = vector.broadcast %broadcast_in_dim3A_329 : f32 to vector<16xf32>
      %scan3A_331 = arith.constant 0 : i32
      %scan3A_332 = arith.constant 200 : i32
      %scan3A_333 = arith.addi %scan3A_331, %scan3A_332 : i32
      %scan3A_334 = arith.constant 1 : i32
      %scan3A_335:8 = scf.for %scan3A_607 = %scan3A_331 to %scan3A_333 step %scan3A_334 iter_args(%scan3A_608 = %broadcast_in_dim3A_316, %scan3A_609 = %broadcast_in_dim3A_318, %scan3A_610 = %broadcast_in_dim3A_320, %scan3A_611 = %broadcast_in_dim3A_322, %scan3A_612 = %broadcast_in_dim3A_324, %scan3A_613 = %broadcast_in_dim3A_326, %scan3A_614 = %broadcast_in_dim3A_328, %scan3A_615 = %broadcast_in_dim3A_330) -> (vector<16xf32>, vector<16xf32>, vector<16xf32>, vector<16xf32>, vector<16xf32>, vector<16xf32>, vector<16xf32>, vector<16xf32>)  : i32 {
        %get3A = arith.constant 0 : i32
        %get3A_616 = arith.index_cast %get3A : i32 to index
        %get3A_617 = arith.index_cast %scan3A_607 : i32 to index
        %get3A_618 = arith.constant 0 : index
        %get3A_619 = tpu.vector_load %arg6[%get3A_616, %get3A_617, %get3A_618] {strides = array<i32>} : memref<3x200x128xf32, #tpu.memory_space<vmem>>, vector<1x1x16xf32>,
        %get3A_620 = vector.shape_cast %get3A_619 : vector<1x1x16xf32> to vector<16xf32>
        %add3A_621 = arith.addf %scan3A_608, %get3A_620 : vector<16xf32>
        %get3A_622 = arith.constant 0 : i32
        %get3A_623 = arith.index_cast %get3A_622 : i32 to index
        %get3A_624 = arith.index_cast %scan3A_607 : i32 to index
        %get3A_625 = arith.constant 16 : index
        %get3A_626 = tpu.vector_load %arg6[%get3A_623, %get3A_624, %get3A_625] {strides = array<i32>} : memref<3x200x128xf32, #tpu.memory_space<vmem>>, vector<1x1x16xf32>,
        %get3A_627 = vector.shape_cast %get3A_626 : vector<1x1x16xf32> to vector<16xf32>
        %add3A_628 = arith.addf %scan3A_609, %get3A_627 : vector<16xf32>
        %get3A_629 = arith.constant 0 : i32
        %get3A_630 = arith.index_cast %get3A_629 : i32 to index
        %get3A_631 = arith.index_cast %scan3A_607 : i32 to index
        %get3A_632 = arith.constant 32 : index
        %get3A_633 = tpu.vector_load %arg6[%get3A_630, %get3A_631, %get3A_632] {strides = array<i32>} : memref<3x200x128xf32, #tpu.memory_space<vmem>>, vector<1x1x16xf32>,
        %get3A_634 = vector.shape_cast %get3A_633 : vector<1x1x16xf32> to vector<16xf32>
        %add3A_635 = arith.addf %scan3A_610, %get3A_634 : vector<16xf32>
        %get3A_636 = arith.constant 0 : i32
        %get3A_637 = arith.index_cast %get3A_636 : i32 to index
        %get3A_638 = arith.index_cast %scan3A_607 : i32 to index
        %get3A_639 = arith.constant 48 : index
        %get3A_640 = tpu.vector_load %arg6[%get3A_637, %get3A_638, %get3A_639] {strides = array<i32>} : memref<3x200x128xf32, #tpu.memory_space<vmem>>, vector<1x1x16xf32>,
        %get3A_641 = vector.shape_cast %get3A_640 : vector<1x1x16xf32> to vector<16xf32>
        %add3A_642 = arith.addf %scan3A_611, %get3A_641 : vector<16xf32>
        %get3A_643 = arith.constant 0 : i32
        %get3A_644 = arith.index_cast %get3A_643 : i32 to index
        %get3A_645 = arith.index_cast %scan3A_607 : i32 to index
        %get3A_646 = arith.constant 64 : index
        %get3A_647 = tpu.vector_load %arg6[%get3A_644, %get3A_645, %get3A_646] {strides = array<i32>} : memref<3x200x128xf32, #tpu.memory_space<vmem>>, vector<1x1x16xf32>,
        %get3A_648 = vector.shape_cast %get3A_647 : vector<1x1x16xf32> to vector<16xf32>
        %add3A_649 = arith.addf %scan3A_612, %get3A_648 : vector<16xf32>
        %get3A_650 = arith.constant 0 : i32
        %get3A_651 = arith.index_cast %get3A_650 : i32 to index
        %get3A_652 = arith.index_cast %scan3A_607 : i32 to index
        %get3A_653 = arith.constant 80 : index
        %get3A_654 = tpu.vector_load %arg6[%get3A_651, %get3A_652, %get3A_653] {strides = array<i32>} : memref<3x200x128xf32, #tpu.memory_space<vmem>>, vector<1x1x16xf32>,
        %get3A_655 = vector.shape_cast %get3A_654 : vector<1x1x16xf32> to vector<16xf32>
        %add3A_656 = arith.addf %scan3A_613, %get3A_655 : vector<16xf32>
        %get3A_657 = arith.constant 0 : i32
        %get3A_658 = arith.index_cast %get3A_657 : i32 to index
        %get3A_659 = arith.index_cast %scan3A_607 : i32 to index
        %get3A_660 = arith.constant 96 : index
        %get3A_661 = tpu.vector_load %arg6[%get3A_658, %get3A_659, %get3A_660] {strides = array<i32>} : memref<3x200x128xf32, #tpu.memory_space<vmem>>, vector<1x1x16xf32>,
        %get3A_662 = vector.shape_cast %get3A_661 : vector<1x1x16xf32> to vector<16xf32>
        %add3A_663 = arith.addf %scan3A_614, %get3A_662 : vector<16xf32>
        %get3A_664 = arith.constant 0 : i32
        %get3A_665 = arith.index_cast %get3A_664 : i32 to index
        %get3A_666 = arith.index_cast %scan3A_607 : i32 to index
        %get3A_667 = arith.constant 112 : index
        %get3A_668 = tpu.vector_load %arg6[%get3A_665, %get3A_666, %get3A_667] {strides = array<i32>} : memref<3x200x128xf32, #tpu.memory_space<vmem>>, vector<1x1x16xf32>,
        %get3A_669 = vector.shape_cast %get3A_668 : vector<1x1x16xf32> to vector<16xf32>
        %add3A_670 = arith.addf %scan3A_615, %get3A_669 : vector<16xf32>
        scf.yield %add3A_621, %add3A_628, %add3A_635, %add3A_642, %add3A_649, %add3A_656, %add3A_663, %add3A_670 : vector<16xf32>, vector<16xf32>, vector<16xf32>, vector<16xf32>, vector<16xf32>, vector<16xf32>, vector<16xf32>, vector<16xf32>
      }
      %scan3A_336 = arith.constant 200 : i32
      %mul3A_337 = vector.broadcast %scan3A_74 : f32 to vector<16xf32>
      %mul3A_338 = arith.mulf %scan3A_335#0, %mul3A_337 : vector<16xf32>
      %swap3A_339 = arith.index_cast %add3A_314 : i32 to index
      %swap3A_340 = arith.constant 0 : index
      %swap3A_341 = tpu.vector_load %arg7[%swap3A_339, %swap3A_340] {strides = array<i32>} : memref<128x128xf32, #tpu.memory_space<vmem>>, vector<1x16xf32>,
      %swap3A_342 = vector.shape_cast %swap3A_341 : vector<1x16xf32> to vector<16xf32>
      %swap3A_343 = vector.shape_cast %mul3A_338 : vector<16xf32> to vector<1x16xf32>
      tpu.vector_store %arg7[%swap3A_339, %swap3A_340], %swap3A_343 {strides = array<i32>} : memref<128x128xf32, #tpu.memory_space<vmem>>, vector<1x16xf32>,
      %mul3A_344 = vector.broadcast %scan3A_74 : f32 to vector<16xf32>
      %mul3A_345 = arith.mulf %scan3A_335#1, %mul3A_344 : vector<16xf32>
      %swap3A_346 = arith.index_cast %add3A_314 : i32 to index
      %swap3A_347 = arith.constant 16 : index
      %swap3A_348 = tpu.vector_load %arg7[%swap3A_346, %swap3A_347] {strides = array<i32>} : memref<128x128xf32, #tpu.memory_space<vmem>>, vector<1x16xf32>,
      %swap3A_349 = vector.shape_cast %swap3A_348 : vector<1x16xf32> to vector<16xf32>
      %swap3A_350 = vector.shape_cast %mul3A_345 : vector<16xf32> to vector<1x16xf32>
      tpu.vector_store %arg7[%swap3A_346, %swap3A_347], %swap3A_350 {strides = array<i32>} : memref<128x128xf32, #tpu.memory_space<vmem>>, vector<1x16xf32>,
      %mul3A_351 = vector.broadcast %scan3A_74 : f32 to vector<16xf32>
      %mul3A_352 = arith.mulf %scan3A_335#2, %mul3A_351 : vector<16xf32>
      %swap3A_353 = arith.index_cast %add3A_314 : i32 to index
      %swap3A_354 = arith.constant 32 : index
      %swap3A_355 = tpu.vector_load %arg7[%swap3A_353, %swap3A_354] {strides = array<i32>} : memref<128x128xf32, #tpu.memory_space<vmem>>, vector<1x16xf32>,
      %swap3A_356 = vector.shape_cast %swap3A_355 : vector<1x16xf32> to vector<16xf32>
      %swap3A_357 = vector.shape_cast %mul3A_352 : vector<16xf32> to vector<1x16xf32>
      tpu.vector_store %arg7[%swap3A_353, %swap3A_354], %swap3A_357 {strides = array<i32>} : memref<128x128xf32, #tpu.memory_space<vmem>>, vector<1x16xf32>,
      %mul3A_358 = vector.broadcast %scan3A_74 : f32 to vector<16xf32>
      %mul3A_359 = arith.mulf %scan3A_335#3, %mul3A_358 : vector<16xf32>
      %swap3A_360 = arith.index_cast %add3A_314 : i32 to index
      %swap3A_361 = arith.constant 48 : index
      %swap3A_362 = tpu.vector_load %arg7[%swap3A_360, %swap3A_361] {strides = array<i32>} : memref<128x128xf32, #tpu.memory_space<vmem>>, vector<1x16xf32>,
      %swap3A_363 = vector.shape_cast %swap3A_362 : vector<1x16xf32> to vector<16xf32>
      %swap3A_364 = vector.shape_cast %mul3A_359 : vector<16xf32> to vector<1x16xf32>
      tpu.vector_store %arg7[%swap3A_360, %swap3A_361], %swap3A_364 {strides = array<i32>} : memref<128x128xf32, #tpu.memory_space<vmem>>, vector<1x16xf32>,
      %mul3A_365 = vector.broadcast %scan3A_74 : f32 to vector<16xf32>
      %mul3A_366 = arith.mulf %scan3A_335#4, %mul3A_365 : vector<16xf32>
      %swap3A_367 = arith.index_cast %add3A_314 : i32 to index
      %swap3A_368 = arith.constant 64 : index
      %swap3A_369 = tpu.vector_load %arg7[%swap3A_367, %swap3A_368] {strides = array<i32>} : memref<128x128xf32, #tpu.memory_space<vmem>>, vector<1x16xf32>,
      %swap3A_370 = vector.shape_cast %swap3A_369 : vector<1x16xf32> to vector<16xf32>
      %swap3A_371 = vector.shape_cast %mul3A_366 : vector<16xf32> to vector<1x16xf32>
      tpu.vector_store %arg7[%swap3A_367, %swap3A_368], %swap3A_371 {strides = array<i32>} : memref<128x128xf32, #tpu.memory_space<vmem>>, vector<1x16xf32>,
      %mul3A_372 = vector.broadcast %scan3A_74 : f32 to vector<16xf32>
      %mul3A_373 = arith.mulf %scan3A_335#5, %mul3A_372 : vector<16xf32>
      %swap3A_374 = arith.index_cast %add3A_314 : i32 to index
      %swap3A_375 = arith.constant 80 : index
      %swap3A_376 = tpu.vector_load %arg7[%swap3A_374, %swap3A_375] {strides = array<i32>} : memref<128x128xf32, #tpu.memory_space<vmem>>, vector<1x16xf32>,
      %swap3A_377 = vector.shape_cast %swap3A_376 : vector<1x16xf32> to vector<16xf32>
      %swap3A_378 = vector.shape_cast %mul3A_373 : vector<16xf32> to vector<1x16xf32>
      tpu.vector_store %arg7[%swap3A_374, %swap3A_375], %swap3A_378 {strides = array<i32>} : memref<128x128xf32, #tpu.memory_space<vmem>>, vector<1x16xf32>,
      %mul3A_379 = vector.broadcast %scan3A_74 : f32 to vector<16xf32>
      %mul3A_380 = arith.mulf %scan3A_335#6, %mul3A_379 : vector<16xf32>
      %swap3A_381 = arith.index_cast %add3A_314 : i32 to index
      %swap3A_382 = arith.constant 96 : index
      %swap3A_383 = tpu.vector_load %arg7[%swap3A_381, %swap3A_382] {strides = array<i32>} : memref<128x128xf32, #tpu.memory_space<vmem>>, vector<1x16xf32>,
      %swap3A_384 = vector.shape_cast %swap3A_383 : vector<1x16xf32> to vector<16xf32>
      %swap3A_385 = vector.shape_cast %mul3A_380 : vector<16xf32> to vector<1x16xf32>
      tpu.vector_store %arg7[%swap3A_381, %swap3A_382], %swap3A_385 {strides = array<i32>} : memref<128x128xf32, #tpu.memory_space<vmem>>, vector<1x16xf32>,
      %mul3A_386 = vector.broadcast %scan3A_74 : f32 to vector<16xf32>
      %mul3A_387 = arith.mulf %scan3A_335#7, %mul3A_386 : vector<16xf32>
      %swap3A_388 = arith.index_cast %add3A_314 : i32 to index
      %swap3A_389 = arith.constant 112 : index
      %swap3A_390 = tpu.vector_load %arg7[%swap3A_388, %swap3A_389] {strides = array<i32>} : memref<128x128xf32, #tpu.memory_space<vmem>>, vector<1x16xf32>,
      %swap3A_391 = vector.shape_cast %swap3A_390 : vector<1x16xf32> to vector<16xf32>
      %swap3A_392 = vector.shape_cast %mul3A_387 : vector<16xf32> to vector<1x16xf32>
      tpu.vector_store %arg7[%swap3A_388, %swap3A_389], %swap3A_392 {strides = array<i32>} : memref<128x128xf32, #tpu.memory_space<vmem>>, vector<1x16xf32>,
      %add3A_393 = arith.constant 0 : i32
      %add3A_394 = arith.addi %mul3A_297, %add3A_393 : i32
      %add3A_395 = arith.constant 3 : i32
      %add3A_396 = arith.addi %add3A_394, %add3A_395 : i32
      %lt3A = arith.constant 128 : i32
      %lt3A_397 = arith.cmpi slt, %add3A_396, %lt3A : i32
      %convert_element_type3A = arith.extui %lt3A_397 : i1 to i32
      %cond3A = arith.constant 0 : i32
      %cond3A_398 = arith.cmpi ne, %convert_element_type3A, %cond3A : i32
      scf.if %cond3A_398 {
        %add3A_607 = arith.constant 0 : i32
        %add3A_608 = arith.addi %mul3A_297, %add3A_607 : i32
        %add3A_609 = arith.constant 3 : i32
        %add3A_610 = arith.addi %add3A_608, %add3A_609 : i32
        %dma_start3A_611 = arith.constant 0 : i32
        %dma_start3A_612 = arith.constant 0 : i32
        %dma_start3A_613 = arith.constant 0 : i32
        %dma_start3A_614 = tpu.memref_slice %arg6[%dma_start3A_611, %dma_start3A_612, %dma_start3A_613] : memref<3x200x128xf32, #tpu.memory_space<vmem>> -> memref<1x128x128xf32, #tpu.memory_space<vmem>>
        %dma_start3A_615 = tpu.memref_squeeze %dma_start3A_614 : memref<1x128x128xf32, #tpu.memory_space<vmem>> -> memref<128x128xf32, #tpu.memory_space<vmem>>
        %dma_start3A_616 = arith.constant 0 : i32
        %dma_start3A_617 = tpu.memref_slice %arg5[%add3A_610, %dma_start3A_616] : memref<128x200xi32, #tpu.memory_space<vmem>> -> memref<1x128xi32, #tpu.memory_space<vmem>>
        %dma_start3A_618 = tpu.memref_squeeze %dma_start3A_617 : memref<1x128xi32, #tpu.memory_space<vmem>> -> memref<128xi32, #tpu.memory_space<vmem>>
        %dma_start3A_619 = arith.constant 0 : i32
        %dma_start3A_620 = arith.constant 0 : i32
        %dma_start3A_621 = tpu.memref_slice %arg3[%dma_start3A_619, %dma_start3A_620] : memref<100001x128xf32, #tpu.memory_space<hbm>> -> memref<100001x128xf32, #tpu.memory_space<hbm>>
        tpu.enqueue_indirect_dma source(%dma_start3A_621 : memref<100001x128xf32, #tpu.memory_space<hbm>>) target(%dma_start3A_615 : memref<128x128xf32, #tpu.memory_space<vmem>>) offsets(%dma_start3A_618 : memref<128xi32, #tpu.memory_space<vmem>>) semaphore(%arg8 : memref<!tpu.dma_semaphore, #tpu.memory_space<semaphore_mem>>)
        %dma_start3A_622 = arith.constant 0 : i32
        %dma_start3A_623 = arith.constant 128 : i32
        %dma_start3A_624 = arith.constant 0 : i32
        %dma_start3A_625 = tpu.memref_slice %arg6[%dma_start3A_622, %dma_start3A_623, %dma_start3A_624] : memref<3x200x128xf32, #tpu.memory_space<vmem>> -> memref<1x72x128xf32, #tpu.memory_space<vmem>>
        %dma_start3A_626 = tpu.memref_squeeze %dma_start3A_625 : memref<1x72x128xf32, #tpu.memory_space<vmem>> -> memref<72x128xf32, #tpu.memory_space<vmem>>
        %dma_start3A_627 = arith.constant 128 : i32
        %dma_start3A_628 = tpu.memref_slice %arg5[%add3A_610, %dma_start3A_627] : memref<128x200xi32, #tpu.memory_space<vmem>> -> memref<1x72xi32, #tpu.memory_space<vmem>>
        %dma_start3A_629 = tpu.memref_squeeze %dma_start3A_628 : memref<1x72xi32, #tpu.memory_space<vmem>> -> memref<72xi32, #tpu.memory_space<vmem>>
        %dma_start3A_630 = arith.constant 0 : i32
        %dma_start3A_631 = arith.constant 0 : i32
        %dma_start3A_632 = tpu.memref_slice %arg3[%dma_start3A_630, %dma_start3A_631] : memref<100001x128xf32, #tpu.memory_space<hbm>> -> memref<100001x128xf32, #tpu.memory_space<hbm>>
        tpu.enqueue_indirect_dma source(%dma_start3A_632 : memref<100001x128xf32, #tpu.memory_space<hbm>>) target(%dma_start3A_626 : memref<72x128xf32, #tpu.memory_space<vmem>>) offsets(%dma_start3A_629 : memref<72xi32, #tpu.memory_space<vmem>>) semaphore(%arg8 : memref<!tpu.dma_semaphore, #tpu.memory_space<semaphore_mem>>)
      } else {
      }
      %dma_wait3A_399 = arith.constant 1 : i32
      %dma_wait3A_400 = arith.constant 0 : i32
      %dma_wait3A_401 = arith.constant 0 : i32
      %dma_wait3A_402 = tpu.memref_slice %arg6[%dma_wait3A_399, %dma_wait3A_400, %dma_wait3A_401] : memref<3x200x128xf32, #tpu.memory_space<vmem>> -> memref<1x200x128xf32, #tpu.memory_space<vmem>>
      %dma_wait3A_403 = tpu.memref_squeeze %dma_wait3A_402 : memref<1x200x128xf32, #tpu.memory_space<vmem>> -> memref<200x128xf32, #tpu.memory_space<vmem>>
      %dma_wait3A_404 = arith.constant 0 : i32
      %dma_wait3A_405 = arith.constant 0 : i32
      %dma_wait3A_406 = tpu.memref_slice %arg3[%dma_wait3A_404, %dma_wait3A_405] : memref<100001x128xf32, #tpu.memory_space<hbm>> -> memref<200x128xf32, #tpu.memory_space<hbm>>
      %dma_wait3A_407 = arith.constant 0 : i32
      %dma_wait3A_408 = arith.constant 0 : i32
      %dma_wait3A_409 = tpu.memref_slice %arg6[%dma_wait3A_399, %dma_wait3A_407, %dma_wait3A_408] : memref<3x200x128xf32, #tpu.memory_space<vmem>> -> memref<1x200x128xf32, #tpu.memory_space<vmem>>
      %dma_wait3A_410 = tpu.memref_squeeze %dma_wait3A_409 : memref<1x200x128xf32, #tpu.memory_space<vmem>> -> memref<200x128xf32, #tpu.memory_space<vmem>>
      %dma_wait3A_411 = arith.constant 0 : i32
      %dma_wait3A_412 = arith.constant 0 : i32
      %dma_wait3A_413 = tpu.memref_slice %arg3[%dma_wait3A_411, %dma_wait3A_412] : memref<100001x128xf32, #tpu.memory_space<hbm>> -> memref<200x128xf32, #tpu.memory_space<hbm>>
      tpu.wait_dma2 semaphore(%arg9 : memref<!tpu.dma_semaphore, #tpu.memory_space<semaphore_mem>>) src(%dma_wait3A_413 : memref<200x128xf32, #tpu.memory_space<hbm>>) dst(%dma_wait3A_410 : memref<200x128xf32, #tpu.memory_space<vmem>>)
      %add3A_414 = arith.constant 1 : i32
      %add3A_415 = arith.addi %mul3A_297, %add3A_414 : i32
      %broadcast_in_dim3A_416 = arith.constant 0.000000e+00 : f32
      %broadcast_in_dim3A_417 = vector.broadcast %broadcast_in_dim3A_416 : f32 to vector<16xf32>
      %broadcast_in_dim3A_418 = arith.constant 0.000000e+00 : f32
      %broadcast_in_dim3A_419 = vector.broadcast %broadcast_in_dim3A_418 : f32 to vector<16xf32>
      %broadcast_in_dim3A_420 = arith.constant 0.000000e+00 : f32
      %broadcast_in_dim3A_421 = vector.broadcast %broadcast_in_dim3A_420 : f32 to vector<16xf32>
      %broadcast_in_dim3A_422 = arith.constant 0.000000e+00 : f32
      %broadcast_in_dim3A_423 = vector.broadcast %broadcast_in_dim3A_422 : f32 to vector<16xf32>
      %broadcast_in_dim3A_424 = arith.constant 0.000000e+00 : f32
      %broadcast_in_dim3A_425 = vector.broadcast %broadcast_in_dim3A_424 : f32 to vector<16xf32>
      %broadcast_in_dim3A_426 = arith.constant 0.000000e+00 : f32
      %broadcast_in_dim3A_427 = vector.broadcast %broadcast_in_dim3A_426 : f32 to vector<16xf32>
      %broadcast_in_dim3A_428 = arith.constant 0.000000e+00 : f32
      %broadcast_in_dim3A_429 = vector.broadcast %broadcast_in_dim3A_428 : f32 to vector<16xf32>
      %broadcast_in_dim3A_430 = arith.constant 0.000000e+00 : f32
      %broadcast_in_dim3A_431 = vector.broadcast %broadcast_in_dim3A_430 : f32 to vector<16xf32>
      %scan3A_432 = arith.constant 0 : i32
      %scan3A_433 = arith.constant 200 : i32
      %scan3A_434 = arith.addi %scan3A_432, %scan3A_433 : i32
      %scan3A_435 = arith.constant 1 : i32
      %scan3A_436:8 = scf.for %scan3A_607 = %scan3A_432 to %scan3A_434 step %scan3A_435 iter_args(%scan3A_608 = %broadcast_in_dim3A_417, %scan3A_609 = %broadcast_in_dim3A_419, %scan3A_610 = %broadcast_in_dim3A_421, %scan3A_611 = %broadcast_in_dim3A_423, %scan3A_612 = %broadcast_in_dim3A_425, %scan3A_613 = %broadcast_in_dim3A_427, %scan3A_614 = %broadcast_in_dim3A_429, %scan3A_615 = %broadcast_in_dim3A_431) -> (vector<16xf32>, vector<16xf32>, vector<16xf32>, vector<16xf32>, vector<16xf32>, vector<16xf32>, vector<16xf32>, vector<16xf32>)  : i32 {
        %get3A = arith.constant 1 : i32
        %get3A_616 = arith.index_cast %get3A : i32 to index
        %get3A_617 = arith.index_cast %scan3A_607 : i32 to index
        %get3A_618 = arith.constant 0 : index
        %get3A_619 = tpu.vector_load %arg6[%get3A_616, %get3A_617, %get3A_618] {strides = array<i32>} : memref<3x200x128xf32, #tpu.memory_space<vmem>>, vector<1x1x16xf32>,
        %get3A_620 = vector.shape_cast %get3A_619 : vector<1x1x16xf32> to vector<16xf32>
        %add3A_621 = arith.addf %scan3A_608, %get3A_620 : vector<16xf32>
        %get3A_622 = arith.constant 1 : i32
        %get3A_623 = arith.index_cast %get3A_622 : i32 to index
        %get3A_624 = arith.index_cast %scan3A_607 : i32 to index
        %get3A_625 = arith.constant 16 : index
        %get3A_626 = tpu.vector_load %arg6[%get3A_623, %get3A_624, %get3A_625] {strides = array<i32>} : memref<3x200x128xf32, #tpu.memory_space<vmem>>, vector<1x1x16xf32>,
        %get3A_627 = vector.shape_cast %get3A_626 : vector<1x1x16xf32> to vector<16xf32>
        %add3A_628 = arith.addf %scan3A_609, %get3A_627 : vector<16xf32>
        %get3A_629 = arith.constant 1 : i32
        %get3A_630 = arith.index_cast %get3A_629 : i32 to index
        %get3A_631 = arith.index_cast %scan3A_607 : i32 to index
        %get3A_632 = arith.constant 32 : index
        %get3A_633 = tpu.vector_load %arg6[%get3A_630, %get3A_631, %get3A_632] {strides = array<i32>} : memref<3x200x128xf32, #tpu.memory_space<vmem>>, vector<1x1x16xf32>,
        %get3A_634 = vector.shape_cast %get3A_633 : vector<1x1x16xf32> to vector<16xf32>
        %add3A_635 = arith.addf %scan3A_610, %get3A_634 : vector<16xf32>
        %get3A_636 = arith.constant 1 : i32
        %get3A_637 = arith.index_cast %get3A_636 : i32 to index
        %get3A_638 = arith.index_cast %scan3A_607 : i32 to index
        %get3A_639 = arith.constant 48 : index
        %get3A_640 = tpu.vector_load %arg6[%get3A_637, %get3A_638, %get3A_639] {strides = array<i32>} : memref<3x200x128xf32, #tpu.memory_space<vmem>>, vector<1x1x16xf32>,
        %get3A_641 = vector.shape_cast %get3A_640 : vector<1x1x16xf32> to vector<16xf32>
        %add3A_642 = arith.addf %scan3A_611, %get3A_641 : vector<16xf32>
        %get3A_643 = arith.constant 1 : i32
        %get3A_644 = arith.index_cast %get3A_643 : i32 to index
        %get3A_645 = arith.index_cast %scan3A_607 : i32 to index
        %get3A_646 = arith.constant 64 : index
        %get3A_647 = tpu.vector_load %arg6[%get3A_644, %get3A_645, %get3A_646] {strides = array<i32>} : memref<3x200x128xf32, #tpu.memory_space<vmem>>, vector<1x1x16xf32>,
        %get3A_648 = vector.shape_cast %get3A_647 : vector<1x1x16xf32> to vector<16xf32>
        %add3A_649 = arith.addf %scan3A_612, %get3A_648 : vector<16xf32>
        %get3A_650 = arith.constant 1 : i32
        %get3A_651 = arith.index_cast %get3A_650 : i32 to index
        %get3A_652 = arith.index_cast %scan3A_607 : i32 to index
        %get3A_653 = arith.constant 80 : index
        %get3A_654 = tpu.vector_load %arg6[%get3A_651, %get3A_652, %get3A_653] {strides = array<i32>} : memref<3x200x128xf32, #tpu.memory_space<vmem>>, vector<1x1x16xf32>,
        %get3A_655 = vector.shape_cast %get3A_654 : vector<1x1x16xf32> to vector<16xf32>
        %add3A_656 = arith.addf %scan3A_613, %get3A_655 : vector<16xf32>
        %get3A_657 = arith.constant 1 : i32
        %get3A_658 = arith.index_cast %get3A_657 : i32 to index
        %get3A_659 = arith.index_cast %scan3A_607 : i32 to index
        %get3A_660 = arith.constant 96 : index
        %get3A_661 = tpu.vector_load %arg6[%get3A_658, %get3A_659, %get3A_660] {strides = array<i32>} : memref<3x200x128xf32, #tpu.memory_space<vmem>>, vector<1x1x16xf32>,
        %get3A_662 = vector.shape_cast %get3A_661 : vector<1x1x16xf32> to vector<16xf32>
        %add3A_663 = arith.addf %scan3A_614, %get3A_662 : vector<16xf32>
        %get3A_664 = arith.constant 1 : i32
        %get3A_665 = arith.index_cast %get3A_664 : i32 to index
        %get3A_666 = arith.index_cast %scan3A_607 : i32 to index
        %get3A_667 = arith.constant 112 : index
        %get3A_668 = tpu.vector_load %arg6[%get3A_665, %get3A_666, %get3A_667] {strides = array<i32>} : memref<3x200x128xf32, #tpu.memory_space<vmem>>, vector<1x1x16xf32>,
        %get3A_669 = vector.shape_cast %get3A_668 : vector<1x1x16xf32> to vector<16xf32>
        %add3A_670 = arith.addf %scan3A_615, %get3A_669 : vector<16xf32>
        scf.yield %add3A_621, %add3A_628, %add3A_635, %add3A_642, %add3A_649, %add3A_656, %add3A_663, %add3A_670 : vector<16xf32>, vector<16xf32>, vector<16xf32>, vector<16xf32>, vector<16xf32>, vector<16xf32>, vector<16xf32>, vector<16xf32>
      }
      %scan3A_437 = arith.constant 200 : i32
      %mul3A_438 = vector.broadcast %scan3A_74 : f32 to vector<16xf32>
      %mul3A_439 = arith.mulf %scan3A_436#0, %mul3A_438 : vector<16xf32>
      %swap3A_440 = arith.index_cast %add3A_415 : i32 to index
      %swap3A_441 = arith.constant 0 : index
      %swap3A_442 = tpu.vector_load %arg7[%swap3A_440, %swap3A_441] {strides = array<i32>} : memref<128x128xf32, #tpu.memory_space<vmem>>, vector<1x16xf32>,
      %swap3A_443 = vector.shape_cast %swap3A_442 : vector<1x16xf32> to vector<16xf32>
      %swap3A_444 = vector.shape_cast %mul3A_439 : vector<16xf32> to vector<1x16xf32>
      tpu.vector_store %arg7[%swap3A_440, %swap3A_441], %swap3A_444 {strides = array<i32>} : memref<128x128xf32, #tpu.memory_space<vmem>>, vector<1x16xf32>,
      %mul3A_445 = vector.broadcast %scan3A_74 : f32 to vector<16xf32>
      %mul3A_446 = arith.mulf %scan3A_436#1, %mul3A_445 : vector<16xf32>
      %swap3A_447 = arith.index_cast %add3A_415 : i32 to index
      %swap3A_448 = arith.constant 16 : index
      %swap3A_449 = tpu.vector_load %arg7[%swap3A_447, %swap3A_448] {strides = array<i32>} : memref<128x128xf32, #tpu.memory_space<vmem>>, vector<1x16xf32>,
      %swap3A_450 = vector.shape_cast %swap3A_449 : vector<1x16xf32> to vector<16xf32>
      %swap3A_451 = vector.shape_cast %mul3A_446 : vector<16xf32> to vector<1x16xf32>
      tpu.vector_store %arg7[%swap3A_447, %swap3A_448], %swap3A_451 {strides = array<i32>} : memref<128x128xf32, #tpu.memory_space<vmem>>, vector<1x16xf32>,
      %mul3A_452 = vector.broadcast %scan3A_74 : f32 to vector<16xf32>
      %mul3A_453 = arith.mulf %scan3A_436#2, %mul3A_452 : vector<16xf32>
      %swap3A_454 = arith.index_cast %add3A_415 : i32 to index
      %swap3A_455 = arith.constant 32 : index
      %swap3A_456 = tpu.vector_load %arg7[%swap3A_454, %swap3A_455] {strides = array<i32>} : memref<128x128xf32, #tpu.memory_space<vmem>>, vector<1x16xf32>,
      %swap3A_457 = vector.shape_cast %swap3A_456 : vector<1x16xf32> to vector<16xf32>
      %swap3A_458 = vector.shape_cast %mul3A_453 : vector<16xf32> to vector<1x16xf32>
      tpu.vector_store %arg7[%swap3A_454, %swap3A_455], %swap3A_458 {strides = array<i32>} : memref<128x128xf32, #tpu.memory_space<vmem>>, vector<1x16xf32>,
      %mul3A_459 = vector.broadcast %scan3A_74 : f32 to vector<16xf32>
      %mul3A_460 = arith.mulf %scan3A_436#3, %mul3A_459 : vector<16xf32>
      %swap3A_461 = arith.index_cast %add3A_415 : i32 to index
      %swap3A_462 = arith.constant 48 : index
      %swap3A_463 = tpu.vector_load %arg7[%swap3A_461, %swap3A_462] {strides = array<i32>} : memref<128x128xf32, #tpu.memory_space<vmem>>, vector<1x16xf32>,
      %swap3A_464 = vector.shape_cast %swap3A_463 : vector<1x16xf32> to vector<16xf32>
      %swap3A_465 = vector.shape_cast %mul3A_460 : vector<16xf32> to vector<1x16xf32>
      tpu.vector_store %arg7[%swap3A_461, %swap3A_462], %swap3A_465 {strides = array<i32>} : memref<128x128xf32, #tpu.memory_space<vmem>>, vector<1x16xf32>,
      %mul3A_466 = vector.broadcast %scan3A_74 : f32 to vector<16xf32>
      %mul3A_467 = arith.mulf %scan3A_436#4, %mul3A_466 : vector<16xf32>
      %swap3A_468 = arith.index_cast %add3A_415 : i32 to index
      %swap3A_469 = arith.constant 64 : index
      %swap3A_470 = tpu.vector_load %arg7[%swap3A_468, %swap3A_469] {strides = array<i32>} : memref<128x128xf32, #tpu.memory_space<vmem>>, vector<1x16xf32>,
      %swap3A_471 = vector.shape_cast %swap3A_470 : vector<1x16xf32> to vector<16xf32>
      %swap3A_472 = vector.shape_cast %mul3A_467 : vector<16xf32> to vector<1x16xf32>
      tpu.vector_store %arg7[%swap3A_468, %swap3A_469], %swap3A_472 {strides = array<i32>} : memref<128x128xf32, #tpu.memory_space<vmem>>, vector<1x16xf32>,
      %mul3A_473 = vector.broadcast %scan3A_74 : f32 to vector<16xf32>
      %mul3A_474 = arith.mulf %scan3A_436#5, %mul3A_473 : vector<16xf32>
      %swap3A_475 = arith.index_cast %add3A_415 : i32 to index
      %swap3A_476 = arith.constant 80 : index
      %swap3A_477 = tpu.vector_load %arg7[%swap3A_475, %swap3A_476] {strides = array<i32>} : memref<128x128xf32, #tpu.memory_space<vmem>>, vector<1x16xf32>,
      %swap3A_478 = vector.shape_cast %swap3A_477 : vector<1x16xf32> to vector<16xf32>
      %swap3A_479 = vector.shape_cast %mul3A_474 : vector<16xf32> to vector<1x16xf32>
      tpu.vector_store %arg7[%swap3A_475, %swap3A_476], %swap3A_479 {strides = array<i32>} : memref<128x128xf32, #tpu.memory_space<vmem>>, vector<1x16xf32>,
      %mul3A_480 = vector.broadcast %scan3A_74 : f32 to vector<16xf32>
      %mul3A_481 = arith.mulf %scan3A_436#6, %mul3A_480 : vector<16xf32>
      %swap3A_482 = arith.index_cast %add3A_415 : i32 to index
      %swap3A_483 = arith.constant 96 : index
      %swap3A_484 = tpu.vector_load %arg7[%swap3A_482, %swap3A_483] {strides = array<i32>} : memref<128x128xf32, #tpu.memory_space<vmem>>, vector<1x16xf32>,
      %swap3A_485 = vector.shape_cast %swap3A_484 : vector<1x16xf32> to vector<16xf32>
      %swap3A_486 = vector.shape_cast %mul3A_481 : vector<16xf32> to vector<1x16xf32>
      tpu.vector_store %arg7[%swap3A_482, %swap3A_483], %swap3A_486 {strides = array<i32>} : memref<128x128xf32, #tpu.memory_space<vmem>>, vector<1x16xf32>,
      %mul3A_487 = vector.broadcast %scan3A_74 : f32 to vector<16xf32>
      %mul3A_488 = arith.mulf %scan3A_436#7, %mul3A_487 : vector<16xf32>
      %swap3A_489 = arith.index_cast %add3A_415 : i32 to index
      %swap3A_490 = arith.constant 112 : index
      %swap3A_491 = tpu.vector_load %arg7[%swap3A_489, %swap3A_490] {strides = array<i32>} : memref<128x128xf32, #tpu.memory_space<vmem>>, vector<1x16xf32>,
      %swap3A_492 = vector.shape_cast %swap3A_491 : vector<1x16xf32> to vector<16xf32>
      %swap3A_493 = vector.shape_cast %mul3A_488 : vector<16xf32> to vector<1x16xf32>
      tpu.vector_store %arg7[%swap3A_489, %swap3A_490], %swap3A_493 {strides = array<i32>} : memref<128x128xf32, #tpu.memory_space<vmem>>, vector<1x16xf32>,
      %add3A_494 = arith.constant 1 : i32
      %add3A_495 = arith.addi %mul3A_297, %add3A_494 : i32
      %add3A_496 = arith.constant 3 : i32
      %add3A_497 = arith.addi %add3A_495, %add3A_496 : i32
      %lt3A_498 = arith.constant 128 : i32
      %lt3A_499 = arith.cmpi slt, %add3A_497, %lt3A_498 : i32
      %convert_element_type3A_500 = arith.extui %lt3A_499 : i1 to i32
      %cond3A_501 = arith.constant 0 : i32
      %cond3A_502 = arith.cmpi ne, %convert_element_type3A_500, %cond3A_501 : i32
      scf.if %cond3A_502 {
        %add3A_607 = arith.constant 1 : i32
        %add3A_608 = arith.addi %mul3A_297, %add3A_607 : i32
        %add3A_609 = arith.constant 3 : i32
        %add3A_610 = arith.addi %add3A_608, %add3A_609 : i32
        %dma_start3A_611 = arith.constant 1 : i32
        %dma_start3A_612 = arith.constant 0 : i32
        %dma_start3A_613 = arith.constant 0 : i32
        %dma_start3A_614 = tpu.memref_slice %arg6[%dma_start3A_611, %dma_start3A_612, %dma_start3A_613] : memref<3x200x128xf32, #tpu.memory_space<vmem>> -> memref<1x128x128xf32, #tpu.memory_space<vmem>>
        %dma_start3A_615 = tpu.memref_squeeze %dma_start3A_614 : memref<1x128x128xf32, #tpu.memory_space<vmem>> -> memref<128x128xf32, #tpu.memory_space<vmem>>
        %dma_start3A_616 = arith.constant 0 : i32
        %dma_start3A_617 = tpu.memref_slice %arg5[%add3A_610, %dma_start3A_616] : memref<128x200xi32, #tpu.memory_space<vmem>> -> memref<1x128xi32, #tpu.memory_space<vmem>>
        %dma_start3A_618 = tpu.memref_squeeze %dma_start3A_617 : memref<1x128xi32, #tpu.memory_space<vmem>> -> memref<128xi32, #tpu.memory_space<vmem>>
        %dma_start3A_619 = arith.constant 0 : i32
        %dma_start3A_620 = arith.constant 0 : i32
        %dma_start3A_621 = tpu.memref_slice %arg3[%dma_start3A_619, %dma_start3A_620] : memref<100001x128xf32, #tpu.memory_space<hbm>> -> memref<100001x128xf32, #tpu.memory_space<hbm>>
        tpu.enqueue_indirect_dma source(%dma_start3A_621 : memref<100001x128xf32, #tpu.memory_space<hbm>>) target(%dma_start3A_615 : memref<128x128xf32, #tpu.memory_space<vmem>>) offsets(%dma_start3A_618 : memref<128xi32, #tpu.memory_space<vmem>>) semaphore(%arg9 : memref<!tpu.dma_semaphore, #tpu.memory_space<semaphore_mem>>)
        %dma_start3A_622 = arith.constant 1 : i32
        %dma_start3A_623 = arith.constant 128 : i32
        %dma_start3A_624 = arith.constant 0 : i32
        %dma_start3A_625 = tpu.memref_slice %arg6[%dma_start3A_622, %dma_start3A_623, %dma_start3A_624] : memref<3x200x128xf32, #tpu.memory_space<vmem>> -> memref<1x72x128xf32, #tpu.memory_space<vmem>>
        %dma_start3A_626 = tpu.memref_squeeze %dma_start3A_625 : memref<1x72x128xf32, #tpu.memory_space<vmem>> -> memref<72x128xf32, #tpu.memory_space<vmem>>
        %dma_start3A_627 = arith.constant 128 : i32
        %dma_start3A_628 = tpu.memref_slice %arg5[%add3A_610, %dma_start3A_627] : memref<128x200xi32, #tpu.memory_space<vmem>> -> memref<1x72xi32, #tpu.memory_space<vmem>>
        %dma_start3A_629 = tpu.memref_squeeze %dma_start3A_628 : memref<1x72xi32, #tpu.memory_space<vmem>> -> memref<72xi32, #tpu.memory_space<vmem>>
        %dma_start3A_630 = arith.constant 0 : i32
        %dma_start3A_631 = arith.constant 0 : i32
        %dma_start3A_632 = tpu.memref_slice %arg3[%dma_start3A_630, %dma_start3A_631] : memref<100001x128xf32, #tpu.memory_space<hbm>> -> memref<100001x128xf32, #tpu.memory_space<hbm>>
        tpu.enqueue_indirect_dma source(%dma_start3A_632 : memref<100001x128xf32, #tpu.memory_space<hbm>>) target(%dma_start3A_626 : memref<72x128xf32, #tpu.memory_space<vmem>>) offsets(%dma_start3A_629 : memref<72xi32, #tpu.memory_space<vmem>>) semaphore(%arg9 : memref<!tpu.dma_semaphore, #tpu.memory_space<semaphore_mem>>)
      } else {
      }
      %dma_wait3A_503 = arith.constant 2 : i32
      %dma_wait3A_504 = arith.constant 0 : i32
      %dma_wait3A_505 = arith.constant 0 : i32
      %dma_wait3A_506 = tpu.memref_slice %arg6[%dma_wait3A_503, %dma_wait3A_504, %dma_wait3A_505] : memref<3x200x128xf32, #tpu.memory_space<vmem>> -> memref<1x200x128xf32, #tpu.memory_space<vmem>>
      %dma_wait3A_507 = tpu.memref_squeeze %dma_wait3A_506 : memref<1x200x128xf32, #tpu.memory_space<vmem>> -> memref<200x128xf32, #tpu.memory_space<vmem>>
      %dma_wait3A_508 = arith.constant 0 : i32
      %dma_wait3A_509 = arith.constant 0 : i32
      %dma_wait3A_510 = tpu.memref_slice %arg3[%dma_wait3A_508, %dma_wait3A_509] : memref<100001x128xf32, #tpu.memory_space<hbm>> -> memref<200x128xf32, #tpu.memory_space<hbm>>
      %dma_wait3A_511 = arith.constant 0 : i32
      %dma_wait3A_512 = arith.constant 0 : i32
      %dma_wait3A_513 = tpu.memref_slice %arg6[%dma_wait3A_503, %dma_wait3A_511, %dma_wait3A_512] : memref<3x200x128xf32, #tpu.memory_space<vmem>> -> memref<1x200x128xf32, #tpu.memory_space<vmem>>
      %dma_wait3A_514 = tpu.memref_squeeze %dma_wait3A_513 : memref<1x200x128xf32, #tpu.memory_space<vmem>> -> memref<200x128xf32, #tpu.memory_space<vmem>>
      %dma_wait3A_515 = arith.constant 0 : i32
      %dma_wait3A_516 = arith.constant 0 : i32
      %dma_wait3A_517 = tpu.memref_slice %arg3[%dma_wait3A_515, %dma_wait3A_516] : memref<100001x128xf32, #tpu.memory_space<hbm>> -> memref<200x128xf32, #tpu.memory_space<hbm>>
      tpu.wait_dma2 semaphore(%arg10 : memref<!tpu.dma_semaphore, #tpu.memory_space<semaphore_mem>>) src(%dma_wait3A_517 : memref<200x128xf32, #tpu.memory_space<hbm>>) dst(%dma_wait3A_514 : memref<200x128xf32, #tpu.memory_space<vmem>>)
      %add3A_518 = arith.constant 2 : i32
      %add3A_519 = arith.addi %mul3A_297, %add3A_518 : i32
      %broadcast_in_dim3A_520 = arith.constant 0.000000e+00 : f32
      %broadcast_in_dim3A_521 = vector.broadcast %broadcast_in_dim3A_520 : f32 to vector<16xf32>
      %broadcast_in_dim3A_522 = arith.constant 0.000000e+00 : f32
      %broadcast_in_dim3A_523 = vector.broadcast %broadcast_in_dim3A_522 : f32 to vector<16xf32>
      %broadcast_in_dim3A_524 = arith.constant 0.000000e+00 : f32
      %broadcast_in_dim3A_525 = vector.broadcast %broadcast_in_dim3A_524 : f32 to vector<16xf32>
      %broadcast_in_dim3A_526 = arith.constant 0.000000e+00 : f32
      %broadcast_in_dim3A_527 = vector.broadcast %broadcast_in_dim3A_526 : f32 to vector<16xf32>
      %broadcast_in_dim3A_528 = arith.constant 0.000000e+00 : f32
      %broadcast_in_dim3A_529 = vector.broadcast %broadcast_in_dim3A_528 : f32 to vector<16xf32>
      %broadcast_in_dim3A_530 = arith.constant 0.000000e+00 : f32
      %broadcast_in_dim3A_531 = vector.broadcast %broadcast_in_dim3A_530 : f32 to vector<16xf32>
      %broadcast_in_dim3A_532 = arith.constant 0.000000e+00 : f32
      %broadcast_in_dim3A_533 = vector.broadcast %broadcast_in_dim3A_532 : f32 to vector<16xf32>
      %broadcast_in_dim3A_534 = arith.constant 0.000000e+00 : f32
      %broadcast_in_dim3A_535 = vector.broadcast %broadcast_in_dim3A_534 : f32 to vector<16xf32>
      %scan3A_536 = arith.constant 0 : i32
      %scan3A_537 = arith.constant 200 : i32
      %scan3A_538 = arith.addi %scan3A_536, %scan3A_537 : i32
      %scan3A_539 = arith.constant 1 : i32
      %scan3A_540:8 = scf.for %scan3A_607 = %scan3A_536 to %scan3A_538 step %scan3A_539 iter_args(%scan3A_608 = %broadcast_in_dim3A_521, %scan3A_609 = %broadcast_in_dim3A_523, %scan3A_610 = %broadcast_in_dim3A_525, %scan3A_611 = %broadcast_in_dim3A_527, %scan3A_612 = %broadcast_in_dim3A_529, %scan3A_613 = %broadcast_in_dim3A_531, %scan3A_614 = %broadcast_in_dim3A_533, %scan3A_615 = %broadcast_in_dim3A_535) -> (vector<16xf32>, vector<16xf32>, vector<16xf32>, vector<16xf32>, vector<16xf32>, vector<16xf32>, vector<16xf32>, vector<16xf32>)  : i32 {
        %get3A = arith.constant 2 : i32
        %get3A_616 = arith.index_cast %get3A : i32 to index
        %get3A_617 = arith.index_cast %scan3A_607 : i32 to index
        %get3A_618 = arith.constant 0 : index
        %get3A_619 = tpu.vector_load %arg6[%get3A_616, %get3A_617, %get3A_618] {strides = array<i32>} : memref<3x200x128xf32, #tpu.memory_space<vmem>>, vector<1x1x16xf32>,
        %get3A_620 = vector.shape_cast %get3A_619 : vector<1x1x16xf32> to vector<16xf32>
        %add3A_621 = arith.addf %scan3A_608, %get3A_620 : vector<16xf32>
        %get3A_622 = arith.constant 2 : i32
        %get3A_623 = arith.index_cast %get3A_622 : i32 to index
        %get3A_624 = arith.index_cast %scan3A_607 : i32 to index
        %get3A_625 = arith.constant 16 : index
        %get3A_626 = tpu.vector_load %arg6[%get3A_623, %get3A_624, %get3A_625] {strides = array<i32>} : memref<3x200x128xf32, #tpu.memory_space<vmem>>, vector<1x1x16xf32>,
        %get3A_627 = vector.shape_cast %get3A_626 : vector<1x1x16xf32> to vector<16xf32>
        %add3A_628 = arith.addf %scan3A_609, %get3A_627 : vector<16xf32>
        %get3A_629 = arith.constant 2 : i32
        %get3A_630 = arith.index_cast %get3A_629 : i32 to index
        %get3A_631 = arith.index_cast %scan3A_607 : i32 to index
        %get3A_632 = arith.constant 32 : index
        %get3A_633 = tpu.vector_load %arg6[%get3A_630, %get3A_631, %get3A_632] {strides = array<i32>} : memref<3x200x128xf32, #tpu.memory_space<vmem>>, vector<1x1x16xf32>,
        %get3A_634 = vector.shape_cast %get3A_633 : vector<1x1x16xf32> to vector<16xf32>
        %add3A_635 = arith.addf %scan3A_610, %get3A_634 : vector<16xf32>
        %get3A_636 = arith.constant 2 : i32
        %get3A_637 = arith.index_cast %get3A_636 : i32 to index
        %get3A_638 = arith.index_cast %scan3A_607 : i32 to index
        %get3A_639 = arith.constant 48 : index
        %get3A_640 = tpu.vector_load %arg6[%get3A_637, %get3A_638, %get3A_639] {strides = array<i32>} : memref<3x200x128xf32, #tpu.memory_space<vmem>>, vector<1x1x16xf32>,
        %get3A_641 = vector.shape_cast %get3A_640 : vector<1x1x16xf32> to vector<16xf32>
        %add3A_642 = arith.addf %scan3A_611, %get3A_641 : vector<16xf32>
        %get3A_643 = arith.constant 2 : i32
        %get3A_644 = arith.index_cast %get3A_643 : i32 to index
        %get3A_645 = arith.index_cast %scan3A_607 : i32 to index
        %get3A_646 = arith.constant 64 : index
        %get3A_647 = tpu.vector_load %arg6[%get3A_644, %get3A_645, %get3A_646] {strides = array<i32>} : memref<3x200x128xf32, #tpu.memory_space<vmem>>, vector<1x1x16xf32>,
        %get3A_648 = vector.shape_cast %get3A_647 : vector<1x1x16xf32> to vector<16xf32>
        %add3A_649 = arith.addf %scan3A_612, %get3A_648 : vector<16xf32>
        %get3A_650 = arith.constant 2 : i32
        %get3A_651 = arith.index_cast %get3A_650 : i32 to index
        %get3A_652 = arith.index_cast %scan3A_607 : i32 to index
        %get3A_653 = arith.constant 80 : index
        %get3A_654 = tpu.vector_load %arg6[%get3A_651, %get3A_652, %get3A_653] {strides = array<i32>} : memref<3x200x128xf32, #tpu.memory_space<vmem>>, vector<1x1x16xf32>,
        %get3A_655 = vector.shape_cast %get3A_654 : vector<1x1x16xf32> to vector<16xf32>
        %add3A_656 = arith.addf %scan3A_613, %get3A_655 : vector<16xf32>
        %get3A_657 = arith.constant 2 : i32
        %get3A_658 = arith.index_cast %get3A_657 : i32 to index
        %get3A_659 = arith.index_cast %scan3A_607 : i32 to index
        %get3A_660 = arith.constant 96 : index
        %get3A_661 = tpu.vector_load %arg6[%get3A_658, %get3A_659, %get3A_660] {strides = array<i32>} : memref<3x200x128xf32, #tpu.memory_space<vmem>>, vector<1x1x16xf32>,
        %get3A_662 = vector.shape_cast %get3A_661 : vector<1x1x16xf32> to vector<16xf32>
        %add3A_663 = arith.addf %scan3A_614, %get3A_662 : vector<16xf32>
        %get3A_664 = arith.constant 2 : i32
        %get3A_665 = arith.index_cast %get3A_664 : i32 to index
        %get3A_666 = arith.index_cast %scan3A_607 : i32 to index
        %get3A_667 = arith.constant 112 : index
        %get3A_668 = tpu.vector_load %arg6[%get3A_665, %get3A_666, %get3A_667] {strides = array<i32>} : memref<3x200x128xf32, #tpu.memory_space<vmem>>, vector<1x1x16xf32>,
        %get3A_669 = vector.shape_cast %get3A_668 : vector<1x1x16xf32> to vector<16xf32>
        %add3A_670 = arith.addf %scan3A_615, %get3A_669 : vector<16xf32>
        scf.yield %add3A_621, %add3A_628, %add3A_635, %add3A_642, %add3A_649, %add3A_656, %add3A_663, %add3A_670 : vector<16xf32>, vector<16xf32>, vector<16xf32>, vector<16xf32>, vector<16xf32>, vector<16xf32>, vector<16xf32>, vector<16xf32>
      }
      %scan3A_541 = arith.constant 200 : i32
      %mul3A_542 = vector.broadcast %scan3A_74 : f32 to vector<16xf32>
      %mul3A_543 = arith.mulf %scan3A_540#0, %mul3A_542 : vector<16xf32>
      %swap3A_544 = arith.index_cast %add3A_519 : i32 to index
      %swap3A_545 = arith.constant 0 : index
      %swap3A_546 = tpu.vector_load %arg7[%swap3A_544, %swap3A_545] {strides = array<i32>} : memref<128x128xf32, #tpu.memory_space<vmem>>, vector<1x16xf32>,
      %swap3A_547 = vector.shape_cast %swap3A_546 : vector<1x16xf32> to vector<16xf32>
      %swap3A_548 = vector.shape_cast %mul3A_543 : vector<16xf32> to vector<1x16xf32>
      tpu.vector_store %arg7[%swap3A_544, %swap3A_545], %swap3A_548 {strides = array<i32>} : memref<128x128xf32, #tpu.memory_space<vmem>>, vector<1x16xf32>,
      %mul3A_549 = vector.broadcast %scan3A_74 : f32 to vector<16xf32>
      %mul3A_550 = arith.mulf %scan3A_540#1, %mul3A_549 : vector<16xf32>
      %swap3A_551 = arith.index_cast %add3A_519 : i32 to index
      %swap3A_552 = arith.constant 16 : index
      %swap3A_553 = tpu.vector_load %arg7[%swap3A_551, %swap3A_552] {strides = array<i32>} : memref<128x128xf32, #tpu.memory_space<vmem>>, vector<1x16xf32>,
      %swap3A_554 = vector.shape_cast %swap3A_553 : vector<1x16xf32> to vector<16xf32>
      %swap3A_555 = vector.shape_cast %mul3A_550 : vector<16xf32> to vector<1x16xf32>
      tpu.vector_store %arg7[%swap3A_551, %swap3A_552], %swap3A_555 {strides = array<i32>} : memref<128x128xf32, #tpu.memory_space<vmem>>, vector<1x16xf32>,
      %mul3A_556 = vector.broadcast %scan3A_74 : f32 to vector<16xf32>
      %mul3A_557 = arith.mulf %scan3A_540#2, %mul3A_556 : vector<16xf32>
      %swap3A_558 = arith.index_cast %add3A_519 : i32 to index
      %swap3A_559 = arith.constant 32 : index
      %swap3A_560 = tpu.vector_load %arg7[%swap3A_558, %swap3A_559] {strides = array<i32>} : memref<128x128xf32, #tpu.memory_space<vmem>>, vector<1x16xf32>,
      %swap3A_561 = vector.shape_cast %swap3A_560 : vector<1x16xf32> to vector<16xf32>
      %swap3A_562 = vector.shape_cast %mul3A_557 : vector<16xf32> to vector<1x16xf32>
      tpu.vector_store %arg7[%swap3A_558, %swap3A_559], %swap3A_562 {strides = array<i32>} : memref<128x128xf32, #tpu.memory_space<vmem>>, vector<1x16xf32>,
      %mul3A_563 = vector.broadcast %scan3A_74 : f32 to vector<16xf32>
      %mul3A_564 = arith.mulf %scan3A_540#3, %mul3A_563 : vector<16xf32>
      %swap3A_565 = arith.index_cast %add3A_519 : i32 to index
      %swap3A_566 = arith.constant 48 : index
      %swap3A_567 = tpu.vector_load %arg7[%swap3A_565, %swap3A_566] {strides = array<i32>} : memref<128x128xf32, #tpu.memory_space<vmem>>, vector<1x16xf32>,
      %swap3A_568 = vector.shape_cast %swap3A_567 : vector<1x16xf32> to vector<16xf32>
      %swap3A_569 = vector.shape_cast %mul3A_564 : vector<16xf32> to vector<1x16xf32>
      tpu.vector_store %arg7[%swap3A_565, %swap3A_566], %swap3A_569 {strides = array<i32>} : memref<128x128xf32, #tpu.memory_space<vmem>>, vector<1x16xf32>,
      %mul3A_570 = vector.broadcast %scan3A_74 : f32 to vector<16xf32>
      %mul3A_571 = arith.mulf %scan3A_540#4, %mul3A_570 : vector<16xf32>
      %swap3A_572 = arith.index_cast %add3A_519 : i32 to index
      %swap3A_573 = arith.constant 64 : index
      %swap3A_574 = tpu.vector_load %arg7[%swap3A_572, %swap3A_573] {strides = array<i32>} : memref<128x128xf32, #tpu.memory_space<vmem>>, vector<1x16xf32>,
      %swap3A_575 = vector.shape_cast %swap3A_574 : vector<1x16xf32> to vector<16xf32>
      %swap3A_576 = vector.shape_cast %mul3A_571 : vector<16xf32> to vector<1x16xf32>
      tpu.vector_store %arg7[%swap3A_572, %swap3A_573], %swap3A_576 {strides = array<i32>} : memref<128x128xf32, #tpu.memory_space<vmem>>, vector<1x16xf32>,
      %mul3A_577 = vector.broadcast %scan3A_74 : f32 to vector<16xf32>
      %mul3A_578 = arith.mulf %scan3A_540#5, %mul3A_577 : vector<16xf32>
      %swap3A_579 = arith.index_cast %add3A_519 : i32 to index
      %swap3A_580 = arith.constant 80 : index
      %swap3A_581 = tpu.vector_load %arg7[%swap3A_579, %swap3A_580] {strides = array<i32>} : memref<128x128xf32, #tpu.memory_space<vmem>>, vector<1x16xf32>,
      %swap3A_582 = vector.shape_cast %swap3A_581 : vector<1x16xf32> to vector<16xf32>
      %swap3A_583 = vector.shape_cast %mul3A_578 : vector<16xf32> to vector<1x16xf32>
      tpu.vector_store %arg7[%swap3A_579, %swap3A_580], %swap3A_583 {strides = array<i32>} : memref<128x128xf32, #tpu.memory_space<vmem>>, vector<1x16xf32>,
      %mul3A_584 = vector.broadcast %scan3A_74 : f32 to vector<16xf32>
      %mul3A_585 = arith.mulf %scan3A_540#6, %mul3A_584 : vector<16xf32>
      %swap3A_586 = arith.index_cast %add3A_519 : i32 to index
      %swap3A_587 = arith.constant 96 : index
      %swap3A_588 = tpu.vector_load %arg7[%swap3A_586, %swap3A_587] {strides = array<i32>} : memref<128x128xf32, #tpu.memory_space<vmem>>, vector<1x16xf32>,
      %swap3A_589 = vector.shape_cast %swap3A_588 : vector<1x16xf32> to vector<16xf32>
      %swap3A_590 = vector.shape_cast %mul3A_585 : vector<16xf32> to vector<1x16xf32>
      tpu.vector_store %arg7[%swap3A_586, %swap3A_587], %swap3A_590 {strides = array<i32>} : memref<128x128xf32, #tpu.memory_space<vmem>>, vector<1x16xf32>,
      %mul3A_591 = vector.broadcast %scan3A_74 : f32 to vector<16xf32>
      %mul3A_592 = arith.mulf %scan3A_540#7, %mul3A_591 : vector<16xf32>
      %swap3A_593 = arith.index_cast %add3A_519 : i32 to index
      %swap3A_594 = arith.constant 112 : index
      %swap3A_595 = tpu.vector_load %arg7[%swap3A_593, %swap3A_594] {strides = array<i32>} : memref<128x128xf32, #tpu.memory_space<vmem>>, vector<1x16xf32>,
      %swap3A_596 = vector.shape_cast %swap3A_595 : vector<1x16xf32> to vector<16xf32>
      %swap3A_597 = vector.shape_cast %mul3A_592 : vector<16xf32> to vector<1x16xf32>
      tpu.vector_store %arg7[%swap3A_593, %swap3A_594], %swap3A_597 {strides = array<i32>} : memref<128x128xf32, #tpu.memory_space<vmem>>, vector<1x16xf32>,
      %add3A_598 = arith.constant 2 : i32
      %add3A_599 = arith.addi %mul3A_297, %add3A_598 : i32
      %add3A_600 = arith.constant 3 : i32
      %add3A_601 = arith.addi %add3A_599, %add3A_600 : i32
      %lt3A_602 = arith.constant 128 : i32
      %lt3A_603 = arith.cmpi slt, %add3A_601, %lt3A_602 : i32
      %convert_element_type3A_604 = arith.extui %lt3A_603 : i1 to i32
      %cond3A_605 = arith.constant 0 : i32
      %cond3A_606 = arith.cmpi ne, %convert_element_type3A_604, %cond3A_605 : i32
      scf.if %cond3A_606 {
        %add3A_607 = arith.constant 2 : i32
        %add3A_608 = arith.addi %mul3A_297, %add3A_607 : i32
        %add3A_609 = arith.constant 3 : i32
        %add3A_610 = arith.addi %add3A_608, %add3A_609 : i32
        %dma_start3A_611 = arith.constant 2 : i32
        %dma_start3A_612 = arith.constant 0 : i32
        %dma_start3A_613 = arith.constant 0 : i32
        %dma_start3A_614 = tpu.memref_slice %arg6[%dma_start3A_611, %dma_start3A_612, %dma_start3A_613] : memref<3x200x128xf32, #tpu.memory_space<vmem>> -> memref<1x128x128xf32, #tpu.memory_space<vmem>>
        %dma_start3A_615 = tpu.memref_squeeze %dma_start3A_614 : memref<1x128x128xf32, #tpu.memory_space<vmem>> -> memref<128x128xf32, #tpu.memory_space<vmem>>
        %dma_start3A_616 = arith.constant 0 : i32
        %dma_start3A_617 = tpu.memref_slice %arg5[%add3A_610, %dma_start3A_616] : memref<128x200xi32, #tpu.memory_space<vmem>> -> memref<1x128xi32, #tpu.memory_space<vmem>>
        %dma_start3A_618 = tpu.memref_squeeze %dma_start3A_617 : memref<1x128xi32, #tpu.memory_space<vmem>> -> memref<128xi32, #tpu.memory_space<vmem>>
        %dma_start3A_619 = arith.constant 0 : i32
        %dma_start3A_620 = arith.constant 0 : i32
        %dma_start3A_621 = tpu.memref_slice %arg3[%dma_start3A_619, %dma_start3A_620] : memref<100001x128xf32, #tpu.memory_space<hbm>> -> memref<100001x128xf32, #tpu.memory_space<hbm>>
        tpu.enqueue_indirect_dma source(%dma_start3A_621 : memref<100001x128xf32, #tpu.memory_space<hbm>>) target(%dma_start3A_615 : memref<128x128xf32, #tpu.memory_space<vmem>>) offsets(%dma_start3A_618 : memref<128xi32, #tpu.memory_space<vmem>>) semaphore(%arg10 : memref<!tpu.dma_semaphore, #tpu.memory_space<semaphore_mem>>)
        %dma_start3A_622 = arith.constant 2 : i32
        %dma_start3A_623 = arith.constant 128 : i32
        %dma_start3A_624 = arith.constant 0 : i32
        %dma_start3A_625 = tpu.memref_slice %arg6[%dma_start3A_622, %dma_start3A_623, %dma_start3A_624] : memref<3x200x128xf32, #tpu.memory_space<vmem>> -> memref<1x72x128xf32, #tpu.memory_space<vmem>>
        %dma_start3A_626 = tpu.memref_squeeze %dma_start3A_625 : memref<1x72x128xf32, #tpu.memory_space<vmem>> -> memref<72x128xf32, #tpu.memory_space<vmem>>
        %dma_start3A_627 = arith.constant 128 : i32
        %dma_start3A_628 = tpu.memref_slice %arg5[%add3A_610, %dma_start3A_627] : memref<128x200xi32, #tpu.memory_space<vmem>> -> memref<1x72xi32, #tpu.memory_space<vmem>>
        %dma_start3A_629 = tpu.memref_squeeze %dma_start3A_628 : memref<1x72xi32, #tpu.memory_space<vmem>> -> memref<72xi32, #tpu.memory_space<vmem>>
        %dma_start3A_630 = arith.constant 0 : i32
        %dma_start3A_631 = arith.constant 0 : i32
        %dma_start3A_632 = tpu.memref_slice %arg3[%dma_start3A_630, %dma_start3A_631] : memref<100001x128xf32, #tpu.memory_space<hbm>> -> memref<100001x128xf32, #tpu.memory_space<hbm>>
        tpu.enqueue_indirect_dma source(%dma_start3A_632 : memref<100001x128xf32, #tpu.memory_space<hbm>>) target(%dma_start3A_626 : memref<72x128xf32, #tpu.memory_space<vmem>>) offsets(%dma_start3A_629 : memref<72xi32, #tpu.memory_space<vmem>>) semaphore(%arg10 : memref<!tpu.dma_semaphore, #tpu.memory_space<semaphore_mem>>)
      } else {
      }
    }
    %scan3A_79 = arith.constant 42 : i32
    %dma_wait3A = arith.constant 0 : i32
    %dma_wait3A_80 = arith.constant 0 : i32
    %dma_wait3A_81 = arith.constant 0 : i32
    %dma_wait3A_82 = tpu.memref_slice %arg6[%dma_wait3A, %dma_wait3A_80, %dma_wait3A_81] : memref<3x200x128xf32, #tpu.memory_space<vmem>> -> memref<1x200x128xf32, #tpu.memory_space<vmem>>
    %dma_wait3A_83 = tpu.memref_squeeze %dma_wait3A_82 : memref<1x200x128xf32, #tpu.memory_space<vmem>> -> memref<200x128xf32, #tpu.memory_space<vmem>>
    %dma_wait3A_84 = arith.constant 0 : i32
    %dma_wait3A_85 = arith.constant 0 : i32
    %dma_wait3A_86 = tpu.memref_slice %arg3[%dma_wait3A_84, %dma_wait3A_85] : memref<100001x128xf32, #tpu.memory_space<hbm>> -> memref<200x128xf32, #tpu.memory_space<hbm>>
    %dma_wait3A_87 = arith.constant 0 : i32
    %dma_wait3A_88 = arith.constant 0 : i32
    %dma_wait3A_89 = tpu.memref_slice %arg6[%dma_wait3A, %dma_wait3A_87, %dma_wait3A_88] : memref<3x200x128xf32, #tpu.memory_space<vmem>> -> memref<1x200x128xf32, #tpu.memory_space<vmem>>
    %dma_wait3A_90 = tpu.memref_squeeze %dma_wait3A_89 : memref<1x200x128xf32, #tpu.memory_space<vmem>> -> memref<200x128xf32, #tpu.memory_space<vmem>>
    %dma_wait3A_91 = arith.constant 0 : i32
    %dma_wait3A_92 = arith.constant 0 : i32
    %dma_wait3A_93 = tpu.memref_slice %arg3[%dma_wait3A_91, %dma_wait3A_92] : memref<100001x128xf32, #tpu.memory_space<hbm>> -> memref<200x128xf32, #tpu.memory_space<hbm>>
    tpu.wait_dma2 semaphore(%arg8 : memref<!tpu.dma_semaphore, #tpu.memory_space<semaphore_mem>>) src(%dma_wait3A_93 : memref<200x128xf32, #tpu.memory_space<hbm>>) dst(%dma_wait3A_90 : memref<200x128xf32, #tpu.memory_space<vmem>>)
    %broadcast_in_dim3A = arith.constant 0.000000e+00 : f32
    %broadcast_in_dim3A_94 = vector.broadcast %broadcast_in_dim3A : f32 to vector<16xf32>
    %broadcast_in_dim3A_95 = arith.constant 0.000000e+00 : f32
    %broadcast_in_dim3A_96 = vector.broadcast %broadcast_in_dim3A_95 : f32 to vector<16xf32>
    %broadcast_in_dim3A_97 = arith.constant 0.000000e+00 : f32
    %broadcast_in_dim3A_98 = vector.broadcast %broadcast_in_dim3A_97 : f32 to vector<16xf32>
    %broadcast_in_dim3A_99 = arith.constant 0.000000e+00 : f32
    %broadcast_in_dim3A_100 = vector.broadcast %broadcast_in_dim3A_99 : f32 to vector<16xf32>
    %broadcast_in_dim3A_101 = arith.constant 0.000000e+00 : f32
    %broadcast_in_dim3A_102 = vector.broadcast %broadcast_in_dim3A_101 : f32 to vector<16xf32>
    %broadcast_in_dim3A_103 = arith.constant 0.000000e+00 : f32
    %broadcast_in_dim3A_104 = vector.broadcast %broadcast_in_dim3A_103 : f32 to vector<16xf32>
    %broadcast_in_dim3A_105 = arith.constant 0.000000e+00 : f32
    %broadcast_in_dim3A_106 = vector.broadcast %broadcast_in_dim3A_105 : f32 to vector<16xf32>
    %broadcast_in_dim3A_107 = arith.constant 0.000000e+00 : f32
    %broadcast_in_dim3A_108 = vector.broadcast %broadcast_in_dim3A_107 : f32 to vector<16xf32>
    %scan3A_109 = arith.constant 0 : i32
    %scan3A_110 = arith.constant 200 : i32
    %scan3A_111 = arith.addi %scan3A_109, %scan3A_110 : i32
    %scan3A_112 = arith.constant 1 : i32
    %scan3A_113:8 = scf.for %scan3A_295 = %scan3A_109 to %scan3A_111 step %scan3A_112 iter_args(%scan3A_296 = %broadcast_in_dim3A_94, %scan3A_297 = %broadcast_in_dim3A_96, %scan3A_298 = %broadcast_in_dim3A_98, %scan3A_299 = %broadcast_in_dim3A_100, %scan3A_300 = %broadcast_in_dim3A_102, %scan3A_301 = %broadcast_in_dim3A_104, %scan3A_302 = %broadcast_in_dim3A_106, %scan3A_303 = %broadcast_in_dim3A_108) -> (vector<16xf32>, vector<16xf32>, vector<16xf32>, vector<16xf32>, vector<16xf32>, vector<16xf32>, vector<16xf32>, vector<16xf32>)  : i32 {
      %get3A = arith.constant 0 : i32
      %get3A_304 = arith.index_cast %get3A : i32 to index
      %get3A_305 = arith.index_cast %scan3A_295 : i32 to index
      %get3A_306 = arith.constant 0 : index
      %get3A_307 = tpu.vector_load %arg6[%get3A_304, %get3A_305, %get3A_306] {strides = array<i32>} : memref<3x200x128xf32, #tpu.memory_space<vmem>>, vector<1x1x16xf32>,
      %get3A_308 = vector.shape_cast %get3A_307 : vector<1x1x16xf32> to vector<16xf32>
      %add3A_309 = arith.addf %scan3A_296, %get3A_308 : vector<16xf32>
      %get3A_310 = arith.constant 0 : i32
      %get3A_311 = arith.index_cast %get3A_310 : i32 to index
      %get3A_312 = arith.index_cast %scan3A_295 : i32 to index
      %get3A_313 = arith.constant 16 : index
      %get3A_314 = tpu.vector_load %arg6[%get3A_311, %get3A_312, %get3A_313] {strides = array<i32>} : memref<3x200x128xf32, #tpu.memory_space<vmem>>, vector<1x1x16xf32>,
      %get3A_315 = vector.shape_cast %get3A_314 : vector<1x1x16xf32> to vector<16xf32>
      %add3A_316 = arith.addf %scan3A_297, %get3A_315 : vector<16xf32>
      %get3A_317 = arith.constant 0 : i32
      %get3A_318 = arith.index_cast %get3A_317 : i32 to index
      %get3A_319 = arith.index_cast %scan3A_295 : i32 to index
      %get3A_320 = arith.constant 32 : index
      %get3A_321 = tpu.vector_load %arg6[%get3A_318, %get3A_319, %get3A_320] {strides = array<i32>} : memref<3x200x128xf32, #tpu.memory_space<vmem>>, vector<1x1x16xf32>,
      %get3A_322 = vector.shape_cast %get3A_321 : vector<1x1x16xf32> to vector<16xf32>
      %add3A_323 = arith.addf %scan3A_298, %get3A_322 : vector<16xf32>
      %get3A_324 = arith.constant 0 : i32
      %get3A_325 = arith.index_cast %get3A_324 : i32 to index
      %get3A_326 = arith.index_cast %scan3A_295 : i32 to index
      %get3A_327 = arith.constant 48 : index
      %get3A_328 = tpu.vector_load %arg6[%get3A_325, %get3A_326, %get3A_327] {strides = array<i32>} : memref<3x200x128xf32, #tpu.memory_space<vmem>>, vector<1x1x16xf32>,
      %get3A_329 = vector.shape_cast %get3A_328 : vector<1x1x16xf32> to vector<16xf32>
      %add3A_330 = arith.addf %scan3A_299, %get3A_329 : vector<16xf32>
      %get3A_331 = arith.constant 0 : i32
      %get3A_332 = arith.index_cast %get3A_331 : i32 to index
      %get3A_333 = arith.index_cast %scan3A_295 : i32 to index
      %get3A_334 = arith.constant 64 : index
      %get3A_335 = tpu.vector_load %arg6[%get3A_332, %get3A_333, %get3A_334] {strides = array<i32>} : memref<3x200x128xf32, #tpu.memory_space<vmem>>, vector<1x1x16xf32>,
      %get3A_336 = vector.shape_cast %get3A_335 : vector<1x1x16xf32> to vector<16xf32>
      %add3A_337 = arith.addf %scan3A_300, %get3A_336 : vector<16xf32>
      %get3A_338 = arith.constant 0 : i32
      %get3A_339 = arith.index_cast %get3A_338 : i32 to index
      %get3A_340 = arith.index_cast %scan3A_295 : i32 to index
      %get3A_341 = arith.constant 80 : index
      %get3A_342 = tpu.vector_load %arg6[%get3A_339, %get3A_340, %get3A_341] {strides = array<i32>} : memref<3x200x128xf32, #tpu.memory_space<vmem>>, vector<1x1x16xf32>,
      %get3A_343 = vector.shape_cast %get3A_342 : vector<1x1x16xf32> to vector<16xf32>
      %add3A_344 = arith.addf %scan3A_301, %get3A_343 : vector<16xf32>
      %get3A_345 = arith.constant 0 : i32
      %get3A_346 = arith.index_cast %get3A_345 : i32 to index
      %get3A_347 = arith.index_cast %scan3A_295 : i32 to index
      %get3A_348 = arith.constant 96 : index
      %get3A_349 = tpu.vector_load %arg6[%get3A_346, %get3A_347, %get3A_348] {strides = array<i32>} : memref<3x200x128xf32, #tpu.memory_space<vmem>>, vector<1x1x16xf32>,
      %get3A_350 = vector.shape_cast %get3A_349 : vector<1x1x16xf32> to vector<16xf32>
      %add3A_351 = arith.addf %scan3A_302, %get3A_350 : vector<16xf32>
      %get3A_352 = arith.constant 0 : i32
      %get3A_353 = arith.index_cast %get3A_352 : i32 to index
      %get3A_354 = arith.index_cast %scan3A_295 : i32 to index
      %get3A_355 = arith.constant 112 : index
      %get3A_356 = tpu.vector_load %arg6[%get3A_353, %get3A_354, %get3A_355] {strides = array<i32>} : memref<3x200x128xf32, #tpu.memory_space<vmem>>, vector<1x1x16xf32>,
      %get3A_357 = vector.shape_cast %get3A_356 : vector<1x1x16xf32> to vector<16xf32>
      %add3A_358 = arith.addf %scan3A_303, %get3A_357 : vector<16xf32>
      scf.yield %add3A_309, %add3A_316, %add3A_323, %add3A_330, %add3A_337, %add3A_344, %add3A_351, %add3A_358 : vector<16xf32>, vector<16xf32>, vector<16xf32>, vector<16xf32>, vector<16xf32>, vector<16xf32>, vector<16xf32>, vector<16xf32>
    }
    %scan3A_114 = arith.constant 200 : i32
    %mul3A_115 = arith.constant 5.000000e-03 : f32
    %mul3A_116 = vector.broadcast %mul3A_115 : f32 to vector<16xf32>
    %mul3A_117 = arith.mulf %scan3A_113#0, %mul3A_116 : vector<16xf32>
    %swap3A = arith.constant 126 : i32
    %swap3A_118 = arith.index_cast %swap3A : i32 to index
    %swap3A_119 = arith.constant 0 : index
    %swap3A_120 = tpu.vector_load %arg7[%swap3A_118, %swap3A_119] {strides = array<i32>} : memref<128x128xf32, #tpu.memory_space<vmem>>, vector<1x16xf32>,
    %swap3A_121 = vector.shape_cast %swap3A_120 : vector<1x16xf32> to vector<16xf32>
    %swap3A_122 = vector.shape_cast %mul3A_117 : vector<16xf32> to vector<1x16xf32>
    tpu.vector_store %arg7[%swap3A_118, %swap3A_119], %swap3A_122 {strides = array<i32>} : memref<128x128xf32, #tpu.memory_space<vmem>>, vector<1x16xf32>,
    %mul3A_123 = arith.constant 5.000000e-03 : f32
    %mul3A_124 = vector.broadcast %mul3A_123 : f32 to vector<16xf32>
    %mul3A_125 = arith.mulf %scan3A_113#1, %mul3A_124 : vector<16xf32>
    %swap3A_126 = arith.constant 126 : i32
    %swap3A_127 = arith.index_cast %swap3A_126 : i32 to index
    %swap3A_128 = arith.constant 16 : index
    %swap3A_129 = tpu.vector_load %arg7[%swap3A_127, %swap3A_128] {strides = array<i32>} : memref<128x128xf32, #tpu.memory_space<vmem>>, vector<1x16xf32>,
    %swap3A_130 = vector.shape_cast %swap3A_129 : vector<1x16xf32> to vector<16xf32>
    %swap3A_131 = vector.shape_cast %mul3A_125 : vector<16xf32> to vector<1x16xf32>
    tpu.vector_store %arg7[%swap3A_127, %swap3A_128], %swap3A_131 {strides = array<i32>} : memref<128x128xf32, #tpu.memory_space<vmem>>, vector<1x16xf32>,
    %mul3A_132 = arith.constant 5.000000e-03 : f32
    %mul3A_133 = vector.broadcast %mul3A_132 : f32 to vector<16xf32>
    %mul3A_134 = arith.mulf %scan3A_113#2, %mul3A_133 : vector<16xf32>
    %swap3A_135 = arith.constant 126 : i32
    %swap3A_136 = arith.index_cast %swap3A_135 : i32 to index
    %swap3A_137 = arith.constant 32 : index
    %swap3A_138 = tpu.vector_load %arg7[%swap3A_136, %swap3A_137] {strides = array<i32>} : memref<128x128xf32, #tpu.memory_space<vmem>>, vector<1x16xf32>,
    %swap3A_139 = vector.shape_cast %swap3A_138 : vector<1x16xf32> to vector<16xf32>
    %swap3A_140 = vector.shape_cast %mul3A_134 : vector<16xf32> to vector<1x16xf32>
    tpu.vector_store %arg7[%swap3A_136, %swap3A_137], %swap3A_140 {strides = array<i32>} : memref<128x128xf32, #tpu.memory_space<vmem>>, vector<1x16xf32>,
    %mul3A_141 = arith.constant 5.000000e-03 : f32
    %mul3A_142 = vector.broadcast %mul3A_141 : f32 to vector<16xf32>
    %mul3A_143 = arith.mulf %scan3A_113#3, %mul3A_142 : vector<16xf32>
    %swap3A_144 = arith.constant 126 : i32
    %swap3A_145 = arith.index_cast %swap3A_144 : i32 to index
    %swap3A_146 = arith.constant 48 : index
    %swap3A_147 = tpu.vector_load %arg7[%swap3A_145, %swap3A_146] {strides = array<i32>} : memref<128x128xf32, #tpu.memory_space<vmem>>, vector<1x16xf32>,
    %swap3A_148 = vector.shape_cast %swap3A_147 : vector<1x16xf32> to vector<16xf32>
    %swap3A_149 = vector.shape_cast %mul3A_143 : vector<16xf32> to vector<1x16xf32>
    tpu.vector_store %arg7[%swap3A_145, %swap3A_146], %swap3A_149 {strides = array<i32>} : memref<128x128xf32, #tpu.memory_space<vmem>>, vector<1x16xf32>,
    %mul3A_150 = arith.constant 5.000000e-03 : f32
    %mul3A_151 = vector.broadcast %mul3A_150 : f32 to vector<16xf32>
    %mul3A_152 = arith.mulf %scan3A_113#4, %mul3A_151 : vector<16xf32>
    %swap3A_153 = arith.constant 126 : i32
    %swap3A_154 = arith.index_cast %swap3A_153 : i32 to index
    %swap3A_155 = arith.constant 64 : index
    %swap3A_156 = tpu.vector_load %arg7[%swap3A_154, %swap3A_155] {strides = array<i32>} : memref<128x128xf32, #tpu.memory_space<vmem>>, vector<1x16xf32>,
    %swap3A_157 = vector.shape_cast %swap3A_156 : vector<1x16xf32> to vector<16xf32>
    %swap3A_158 = vector.shape_cast %mul3A_152 : vector<16xf32> to vector<1x16xf32>
    tpu.vector_store %arg7[%swap3A_154, %swap3A_155], %swap3A_158 {strides = array<i32>} : memref<128x128xf32, #tpu.memory_space<vmem>>, vector<1x16xf32>,
    %mul3A_159 = arith.constant 5.000000e-03 : f32
    %mul3A_160 = vector.broadcast %mul3A_159 : f32 to vector<16xf32>
    %mul3A_161 = arith.mulf %scan3A_113#5, %mul3A_160 : vector<16xf32>
    %swap3A_162 = arith.constant 126 : i32
    %swap3A_163 = arith.index_cast %swap3A_162 : i32 to index
    %swap3A_164 = arith.constant 80 : index
    %swap3A_165 = tpu.vector_load %arg7[%swap3A_163, %swap3A_164] {strides = array<i32>} : memref<128x128xf32, #tpu.memory_space<vmem>>, vector<1x16xf32>,
    %swap3A_166 = vector.shape_cast %swap3A_165 : vector<1x16xf32> to vector<16xf32>
    %swap3A_167 = vector.shape_cast %mul3A_161 : vector<16xf32> to vector<1x16xf32>
    tpu.vector_store %arg7[%swap3A_163, %swap3A_164], %swap3A_167 {strides = array<i32>} : memref<128x128xf32, #tpu.memory_space<vmem>>, vector<1x16xf32>,
    %mul3A_168 = arith.constant 5.000000e-03 : f32
    %mul3A_169 = vector.broadcast %mul3A_168 : f32 to vector<16xf32>
    %mul3A_170 = arith.mulf %scan3A_113#6, %mul3A_169 : vector<16xf32>
    %swap3A_171 = arith.constant 126 : i32
    %swap3A_172 = arith.index_cast %swap3A_171 : i32 to index
    %swap3A_173 = arith.constant 96 : index
    %swap3A_174 = tpu.vector_load %arg7[%swap3A_172, %swap3A_173] {strides = array<i32>} : memref<128x128xf32, #tpu.memory_space<vmem>>, vector<1x16xf32>,
    %swap3A_175 = vector.shape_cast %swap3A_174 : vector<1x16xf32> to vector<16xf32>
    %swap3A_176 = vector.shape_cast %mul3A_170 : vector<16xf32> to vector<1x16xf32>
    tpu.vector_store %arg7[%swap3A_172, %swap3A_173], %swap3A_176 {strides = array<i32>} : memref<128x128xf32, #tpu.memory_space<vmem>>, vector<1x16xf32>,
    %mul3A_177 = arith.constant 5.000000e-03 : f32
    %mul3A_178 = vector.broadcast %mul3A_177 : f32 to vector<16xf32>
    %mul3A_179 = arith.mulf %scan3A_113#7, %mul3A_178 : vector<16xf32>
    %swap3A_180 = arith.constant 126 : i32
    %swap3A_181 = arith.index_cast %swap3A_180 : i32 to index
    %swap3A_182 = arith.constant 112 : index
    %swap3A_183 = tpu.vector_load %arg7[%swap3A_181, %swap3A_182] {strides = array<i32>} : memref<128x128xf32, #tpu.memory_space<vmem>>, vector<1x16xf32>,
    %swap3A_184 = vector.shape_cast %swap3A_183 : vector<1x16xf32> to vector<16xf32>
    %swap3A_185 = vector.shape_cast %mul3A_179 : vector<16xf32> to vector<1x16xf32>
    tpu.vector_store %arg7[%swap3A_181, %swap3A_182], %swap3A_185 {strides = array<i32>} : memref<128x128xf32, #tpu.memory_space<vmem>>, vector<1x16xf32>,
    %dma_wait3A_186 = arith.constant 1 : i32
    %dma_wait3A_187 = arith.constant 0 : i32
    %dma_wait3A_188 = arith.constant 0 : i32
    %dma_wait3A_189 = tpu.memref_slice %arg6[%dma_wait3A_186, %dma_wait3A_187, %dma_wait3A_188] : memref<3x200x128xf32, #tpu.memory_space<vmem>> -> memref<1x200x128xf32, #tpu.memory_space<vmem>>
    %dma_wait3A_190 = tpu.memref_squeeze %dma_wait3A_189 : memref<1x200x128xf32, #tpu.memory_space<vmem>> -> memref<200x128xf32, #tpu.memory_space<vmem>>
    %dma_wait3A_191 = arith.constant 0 : i32
    %dma_wait3A_192 = arith.constant 0 : i32
    %dma_wait3A_193 = tpu.memref_slice %arg3[%dma_wait3A_191, %dma_wait3A_192] : memref<100001x128xf32, #tpu.memory_space<hbm>> -> memref<200x128xf32, #tpu.memory_space<hbm>>
    %dma_wait3A_194 = arith.constant 0 : i32
    %dma_wait3A_195 = arith.constant 0 : i32
    %dma_wait3A_196 = tpu.memref_slice %arg6[%dma_wait3A_186, %dma_wait3A_194, %dma_wait3A_195] : memref<3x200x128xf32, #tpu.memory_space<vmem>> -> memref<1x200x128xf32, #tpu.memory_space<vmem>>
    %dma_wait3A_197 = tpu.memref_squeeze %dma_wait3A_196 : memref<1x200x128xf32, #tpu.memory_space<vmem>> -> memref<200x128xf32, #tpu.memory_space<vmem>>
    %dma_wait3A_198 = arith.constant 0 : i32
    %dma_wait3A_199 = arith.constant 0 : i32
    %dma_wait3A_200 = tpu.memref_slice %arg3[%dma_wait3A_198, %dma_wait3A_199] : memref<100001x128xf32, #tpu.memory_space<hbm>> -> memref<200x128xf32, #tpu.memory_space<hbm>>
    tpu.wait_dma2 semaphore(%arg9 : memref<!tpu.dma_semaphore, #tpu.memory_space<semaphore_mem>>) src(%dma_wait3A_200 : memref<200x128xf32, #tpu.memory_space<hbm>>) dst(%dma_wait3A_197 : memref<200x128xf32, #tpu.memory_space<vmem>>)
    %broadcast_in_dim3A_201 = arith.constant 0.000000e+00 : f32
    %broadcast_in_dim3A_202 = vector.broadcast %broadcast_in_dim3A_201 : f32 to vector<16xf32>
    %broadcast_in_dim3A_203 = arith.constant 0.000000e+00 : f32
    %broadcast_in_dim3A_204 = vector.broadcast %broadcast_in_dim3A_203 : f32 to vector<16xf32>
    %broadcast_in_dim3A_205 = arith.constant 0.000000e+00 : f32
    %broadcast_in_dim3A_206 = vector.broadcast %broadcast_in_dim3A_205 : f32 to vector<16xf32>
    %broadcast_in_dim3A_207 = arith.constant 0.000000e+00 : f32
    %broadcast_in_dim3A_208 = vector.broadcast %broadcast_in_dim3A_207 : f32 to vector<16xf32>
    %broadcast_in_dim3A_209 = arith.constant 0.000000e+00 : f32
    %broadcast_in_dim3A_210 = vector.broadcast %broadcast_in_dim3A_209 : f32 to vector<16xf32>
    %broadcast_in_dim3A_211 = arith.constant 0.000000e+00 : f32
    %broadcast_in_dim3A_212 = vector.broadcast %broadcast_in_dim3A_211 : f32 to vector<16xf32>
    %broadcast_in_dim3A_213 = arith.constant 0.000000e+00 : f32
    %broadcast_in_dim3A_214 = vector.broadcast %broadcast_in_dim3A_213 : f32 to vector<16xf32>
    %broadcast_in_dim3A_215 = arith.constant 0.000000e+00 : f32
    %broadcast_in_dim3A_216 = vector.broadcast %broadcast_in_dim3A_215 : f32 to vector<16xf32>
    %scan3A_217 = arith.constant 0 : i32
    %scan3A_218 = arith.constant 200 : i32
    %scan3A_219 = arith.addi %scan3A_217, %scan3A_218 : i32
    %scan3A_220 = arith.constant 1 : i32
    %scan3A_221:8 = scf.for %scan3A_295 = %scan3A_217 to %scan3A_219 step %scan3A_220 iter_args(%scan3A_296 = %broadcast_in_dim3A_202, %scan3A_297 = %broadcast_in_dim3A_204, %scan3A_298 = %broadcast_in_dim3A_206, %scan3A_299 = %broadcast_in_dim3A_208, %scan3A_300 = %broadcast_in_dim3A_210, %scan3A_301 = %broadcast_in_dim3A_212, %scan3A_302 = %broadcast_in_dim3A_214, %scan3A_303 = %broadcast_in_dim3A_216) -> (vector<16xf32>, vector<16xf32>, vector<16xf32>, vector<16xf32>, vector<16xf32>, vector<16xf32>, vector<16xf32>, vector<16xf32>)  : i32 {
      %get3A = arith.constant 1 : i32
      %get3A_304 = arith.index_cast %get3A : i32 to index
      %get3A_305 = arith.index_cast %scan3A_295 : i32 to index
      %get3A_306 = arith.constant 0 : index
      %get3A_307 = tpu.vector_load %arg6[%get3A_304, %get3A_305, %get3A_306] {strides = array<i32>} : memref<3x200x128xf32, #tpu.memory_space<vmem>>, vector<1x1x16xf32>,
      %get3A_308 = vector.shape_cast %get3A_307 : vector<1x1x16xf32> to vector<16xf32>
      %add3A_309 = arith.addf %scan3A_296, %get3A_308 : vector<16xf32>
      %get3A_310 = arith.constant 1 : i32
      %get3A_311 = arith.index_cast %get3A_310 : i32 to index
      %get3A_312 = arith.index_cast %scan3A_295 : i32 to index
      %get3A_313 = arith.constant 16 : index
      %get3A_314 = tpu.vector_load %arg6[%get3A_311, %get3A_312, %get3A_313] {strides = array<i32>} : memref<3x200x128xf32, #tpu.memory_space<vmem>>, vector<1x1x16xf32>,
      %get3A_315 = vector.shape_cast %get3A_314 : vector<1x1x16xf32> to vector<16xf32>
      %add3A_316 = arith.addf %scan3A_297, %get3A_315 : vector<16xf32>
      %get3A_317 = arith.constant 1 : i32
      %get3A_318 = arith.index_cast %get3A_317 : i32 to index
      %get3A_319 = arith.index_cast %scan3A_295 : i32 to index
      %get3A_320 = arith.constant 32 : index
      %get3A_321 = tpu.vector_load %arg6[%get3A_318, %get3A_319, %get3A_320] {strides = array<i32>} : memref<3x200x128xf32, #tpu.memory_space<vmem>>, vector<1x1x16xf32>,
      %get3A_322 = vector.shape_cast %get3A_321 : vector<1x1x16xf32> to vector<16xf32>
      %add3A_323 = arith.addf %scan3A_298, %get3A_322 : vector<16xf32>
      %get3A_324 = arith.constant 1 : i32
      %get3A_325 = arith.index_cast %get3A_324 : i32 to index
      %get3A_326 = arith.index_cast %scan3A_295 : i32 to index
      %get3A_327 = arith.constant 48 : index
      %get3A_328 = tpu.vector_load %arg6[%get3A_325, %get3A_326, %get3A_327] {strides = array<i32>} : memref<3x200x128xf32, #tpu.memory_space<vmem>>, vector<1x1x16xf32>,
      %get3A_329 = vector.shape_cast %get3A_328 : vector<1x1x16xf32> to vector<16xf32>
      %add3A_330 = arith.addf %scan3A_299, %get3A_329 : vector<16xf32>
      %get3A_331 = arith.constant 1 : i32
      %get3A_332 = arith.index_cast %get3A_331 : i32 to index
      %get3A_333 = arith.index_cast %scan3A_295 : i32 to index
      %get3A_334 = arith.constant 64 : index
      %get3A_335 = tpu.vector_load %arg6[%get3A_332, %get3A_333, %get3A_334] {strides = array<i32>} : memref<3x200x128xf32, #tpu.memory_space<vmem>>, vector<1x1x16xf32>,
      %get3A_336 = vector.shape_cast %get3A_335 : vector<1x1x16xf32> to vector<16xf32>
      %add3A_337 = arith.addf %scan3A_300, %get3A_336 : vector<16xf32>
      %get3A_338 = arith.constant 1 : i32
      %get3A_339 = arith.index_cast %get3A_338 : i32 to index
      %get3A_340 = arith.index_cast %scan3A_295 : i32 to index
      %get3A_341 = arith.constant 80 : index
      %get3A_342 = tpu.vector_load %arg6[%get3A_339, %get3A_340, %get3A_341] {strides = array<i32>} : memref<3x200x128xf32, #tpu.memory_space<vmem>>, vector<1x1x16xf32>,
      %get3A_343 = vector.shape_cast %get3A_342 : vector<1x1x16xf32> to vector<16xf32>
      %add3A_344 = arith.addf %scan3A_301, %get3A_343 : vector<16xf32>
      %get3A_345 = arith.constant 1 : i32
      %get3A_346 = arith.index_cast %get3A_345 : i32 to index
      %get3A_347 = arith.index_cast %scan3A_295 : i32 to index
      %get3A_348 = arith.constant 96 : index
      %get3A_349 = tpu.vector_load %arg6[%get3A_346, %get3A_347, %get3A_348] {strides = array<i32>} : memref<3x200x128xf32, #tpu.memory_space<vmem>>, vector<1x1x16xf32>,
      %get3A_350 = vector.shape_cast %get3A_349 : vector<1x1x16xf32> to vector<16xf32>
      %add3A_351 = arith.addf %scan3A_302, %get3A_350 : vector<16xf32>
      %get3A_352 = arith.constant 1 : i32
      %get3A_353 = arith.index_cast %get3A_352 : i32 to index
      %get3A_354 = arith.index_cast %scan3A_295 : i32 to index
      %get3A_355 = arith.constant 112 : index
      %get3A_356 = tpu.vector_load %arg6[%get3A_353, %get3A_354, %get3A_355] {strides = array<i32>} : memref<3x200x128xf32, #tpu.memory_space<vmem>>, vector<1x1x16xf32>,
      %get3A_357 = vector.shape_cast %get3A_356 : vector<1x1x16xf32> to vector<16xf32>
      %add3A_358 = arith.addf %scan3A_303, %get3A_357 : vector<16xf32>
      scf.yield %add3A_309, %add3A_316, %add3A_323, %add3A_330, %add3A_337, %add3A_344, %add3A_351, %add3A_358 : vector<16xf32>, vector<16xf32>, vector<16xf32>, vector<16xf32>, vector<16xf32>, vector<16xf32>, vector<16xf32>, vector<16xf32>
    }
    %scan3A_222 = arith.constant 200 : i32
    %mul3A_223 = arith.constant 5.000000e-03 : f32
    %mul3A_224 = vector.broadcast %mul3A_223 : f32 to vector<16xf32>
    %mul3A_225 = arith.mulf %scan3A_221#0, %mul3A_224 : vector<16xf32>
    %swap3A_226 = arith.constant 127 : i32
    %swap3A_227 = arith.index_cast %swap3A_226 : i32 to index
    %swap3A_228 = arith.constant 0 : index
    %swap3A_229 = tpu.vector_load %arg7[%swap3A_227, %swap3A_228] {strides = array<i32>} : memref<128x128xf32, #tpu.memory_space<vmem>>, vector<1x16xf32>,
    %swap3A_230 = vector.shape_cast %swap3A_229 : vector<1x16xf32> to vector<16xf32>
    %swap3A_231 = vector.shape_cast %mul3A_225 : vector<16xf32> to vector<1x16xf32>
    tpu.vector_store %arg7[%swap3A_227, %swap3A_228], %swap3A_231 {strides = array<i32>} : memref<128x128xf32, #tpu.memory_space<vmem>>, vector<1x16xf32>,
    %mul3A_232 = arith.constant 5.000000e-03 : f32
    %mul3A_233 = vector.broadcast %mul3A_232 : f32 to vector<16xf32>
    %mul3A_234 = arith.mulf %scan3A_221#1, %mul3A_233 : vector<16xf32>
    %swap3A_235 = arith.constant 127 : i32
    %swap3A_236 = arith.index_cast %swap3A_235 : i32 to index
    %swap3A_237 = arith.constant 16 : index
    %swap3A_238 = tpu.vector_load %arg7[%swap3A_236, %swap3A_237] {strides = array<i32>} : memref<128x128xf32, #tpu.memory_space<vmem>>, vector<1x16xf32>,
    %swap3A_239 = vector.shape_cast %swap3A_238 : vector<1x16xf32> to vector<16xf32>
    %swap3A_240 = vector.shape_cast %mul3A_234 : vector<16xf32> to vector<1x16xf32>
    tpu.vector_store %arg7[%swap3A_236, %swap3A_237], %swap3A_240 {strides = array<i32>} : memref<128x128xf32, #tpu.memory_space<vmem>>, vector<1x16xf32>,
    %mul3A_241 = arith.constant 5.000000e-03 : f32
    %mul3A_242 = vector.broadcast %mul3A_241 : f32 to vector<16xf32>
    %mul3A_243 = arith.mulf %scan3A_221#2, %mul3A_242 : vector<16xf32>
    %swap3A_244 = arith.constant 127 : i32
    %swap3A_245 = arith.index_cast %swap3A_244 : i32 to index
    %swap3A_246 = arith.constant 32 : index
    %swap3A_247 = tpu.vector_load %arg7[%swap3A_245, %swap3A_246] {strides = array<i32>} : memref<128x128xf32, #tpu.memory_space<vmem>>, vector<1x16xf32>,
    %swap3A_248 = vector.shape_cast %swap3A_247 : vector<1x16xf32> to vector<16xf32>
    %swap3A_249 = vector.shape_cast %mul3A_243 : vector<16xf32> to vector<1x16xf32>
    tpu.vector_store %arg7[%swap3A_245, %swap3A_246], %swap3A_249 {strides = array<i32>} : memref<128x128xf32, #tpu.memory_space<vmem>>, vector<1x16xf32>,
    %mul3A_250 = arith.constant 5.000000e-03 : f32
    %mul3A_251 = vector.broadcast %mul3A_250 : f32 to vector<16xf32>
    %mul3A_252 = arith.mulf %scan3A_221#3, %mul3A_251 : vector<16xf32>
    %swap3A_253 = arith.constant 127 : i32
    %swap3A_254 = arith.index_cast %swap3A_253 : i32 to index
    %swap3A_255 = arith.constant 48 : index
    %swap3A_256 = tpu.vector_load %arg7[%swap3A_254, %swap3A_255] {strides = array<i32>} : memref<128x128xf32, #tpu.memory_space<vmem>>, vector<1x16xf32>,
    %swap3A_257 = vector.shape_cast %swap3A_256 : vector<1x16xf32> to vector<16xf32>
    %swap3A_258 = vector.shape_cast %mul3A_252 : vector<16xf32> to vector<1x16xf32>
    tpu.vector_store %arg7[%swap3A_254, %swap3A_255], %swap3A_258 {strides = array<i32>} : memref<128x128xf32, #tpu.memory_space<vmem>>, vector<1x16xf32>,
    %mul3A_259 = arith.constant 5.000000e-03 : f32
    %mul3A_260 = vector.broadcast %mul3A_259 : f32 to vector<16xf32>
    %mul3A_261 = arith.mulf %scan3A_221#4, %mul3A_260 : vector<16xf32>
    %swap3A_262 = arith.constant 127 : i32
    %swap3A_263 = arith.index_cast %swap3A_262 : i32 to index
    %swap3A_264 = arith.constant 64 : index
    %swap3A_265 = tpu.vector_load %arg7[%swap3A_263, %swap3A_264] {strides = array<i32>} : memref<128x128xf32, #tpu.memory_space<vmem>>, vector<1x16xf32>,
    %swap3A_266 = vector.shape_cast %swap3A_265 : vector<1x16xf32> to vector<16xf32>
    %swap3A_267 = vector.shape_cast %mul3A_261 : vector<16xf32> to vector<1x16xf32>
    tpu.vector_store %arg7[%swap3A_263, %swap3A_264], %swap3A_267 {strides = array<i32>} : memref<128x128xf32, #tpu.memory_space<vmem>>, vector<1x16xf32>,
    %mul3A_268 = arith.constant 5.000000e-03 : f32
    %mul3A_269 = vector.broadcast %mul3A_268 : f32 to vector<16xf32>
    %mul3A_270 = arith.mulf %scan3A_221#5, %mul3A_269 : vector<16xf32>
    %swap3A_271 = arith.constant 127 : i32
    %swap3A_272 = arith.index_cast %swap3A_271 : i32 to index
    %swap3A_273 = arith.constant 80 : index
    %swap3A_274 = tpu.vector_load %arg7[%swap3A_272, %swap3A_273] {strides = array<i32>} : memref<128x128xf32, #tpu.memory_space<vmem>>, vector<1x16xf32>,
    %swap3A_275 = vector.shape_cast %swap3A_274 : vector<1x16xf32> to vector<16xf32>
    %swap3A_276 = vector.shape_cast %mul3A_270 : vector<16xf32> to vector<1x16xf32>
    tpu.vector_store %arg7[%swap3A_272, %swap3A_273], %swap3A_276 {strides = array<i32>} : memref<128x128xf32, #tpu.memory_space<vmem>>, vector<1x16xf32>,
    %mul3A_277 = arith.constant 5.000000e-03 : f32
    %mul3A_278 = vector.broadcast %mul3A_277 : f32 to vector<16xf32>
    %mul3A_279 = arith.mulf %scan3A_221#6, %mul3A_278 : vector<16xf32>
    %swap3A_280 = arith.constant 127 : i32
    %swap3A_281 = arith.index_cast %swap3A_280 : i32 to index
    %swap3A_282 = arith.constant 96 : index
    %swap3A_283 = tpu.vector_load %arg7[%swap3A_281, %swap3A_282] {strides = array<i32>} : memref<128x128xf32, #tpu.memory_space<vmem>>, vector<1x16xf32>,
    %swap3A_284 = vector.shape_cast %swap3A_283 : vector<1x16xf32> to vector<16xf32>
    %swap3A_285 = vector.shape_cast %mul3A_279 : vector<16xf32> to vector<1x16xf32>
    tpu.vector_store %arg7[%swap3A_281, %swap3A_282], %swap3A_285 {strides = array<i32>} : memref<128x128xf32, #tpu.memory_space<vmem>>, vector<1x16xf32>,
    %mul3A_286 = arith.constant 5.000000e-03 : f32
    %mul3A_287 = vector.broadcast %mul3A_286 : f32 to vector<16xf32>
    %mul3A_288 = arith.mulf %scan3A_221#7, %mul3A_287 : vector<16xf32>
    %swap3A_289 = arith.constant 127 : i32
    %swap3A_290 = arith.index_cast %swap3A_289 : i32 to index
    %swap3A_291 = arith.constant 112 : index
    %swap3A_292 = tpu.vector_load %arg7[%swap3A_290, %swap3A_291] {strides = array<i32>} : memref<128x128xf32, #tpu.memory_space<vmem>>, vector<1x16xf32>,
    %swap3A_293 = vector.shape_cast %swap3A_292 : vector<1x16xf32> to vector<16xf32>
    %swap3A_294 = vector.shape_cast %mul3A_288 : vector<16xf32> to vector<1x16xf32>
    tpu.vector_store %arg7[%swap3A_290, %swap3A_291], %swap3A_294 {strides = array<i32>} : memref<128x128xf32, #tpu.memory_space<vmem>>, vector<1x16xf32>,
    "tpu.region"() ({
      %run_scoped3A = tpu.sem_alloc : memref<!tpu.dma_semaphore, #tpu.memory_space<semaphore_mem>>
      %dma_start3A_295 = arith.constant 0 : i32
      %dma_start3A_296 = tpu.memref_slice %arg4[%mul3A_2, %dma_start3A_295] : memref<4096x128xf32, #tpu.memory_space<hbm>> -> memref<128x128xf32, #tpu.memory_space<hbm>>
      %dma_start3A_297 = arith.constant 0 : i32
      %dma_start3A_298 = tpu.memref_slice %arg4[%mul3A_2, %dma_start3A_297] : memref<4096x128xf32, #tpu.memory_space<hbm>> -> memref<128x128xf32, #tpu.memory_space<hbm>>
      tpu.enqueue_dma source(%arg7 : memref<128x128xf32, #tpu.memory_space<vmem>>) target(%dma_start3A_298 : memref<128x128xf32, #tpu.memory_space<hbm>>) target_semaphore(%run_scoped3A : memref<!tpu.dma_semaphore, #tpu.memory_space<semaphore_mem>>)
      %dma_wait3A_299 = arith.constant 0 : i32
      %dma_wait3A_300 = tpu.memref_slice %arg4[%mul3A_2, %dma_wait3A_299] : memref<4096x128xf32, #tpu.memory_space<hbm>> -> memref<128x128xf32, #tpu.memory_space<hbm>>
      %dma_wait3A_301 = arith.constant 0 : i32
      %dma_wait3A_302 = tpu.memref_slice %arg4[%mul3A_2, %dma_wait3A_301] : memref<4096x128xf32, #tpu.memory_space<hbm>> -> memref<128x128xf32, #tpu.memory_space<hbm>>
      tpu.wait_dma2 semaphore(%run_scoped3A : memref<!tpu.dma_semaphore, #tpu.memory_space<semaphore_mem>>) src(%arg7 : memref<128x128xf32, #tpu.memory_space<vmem>>) dst(%dma_wait3A_302 : memref<128x128xf32, #tpu.memory_space<hbm>>)
      tpu.yield
    }) : () -> ()
    return
  }
}

module attributes {stable_mosaic.version = 14 : i64} {
  func.func @_mm_body(%arg0: i32, %arg1: memref<512x128xf32, #tpu.memory_space<vmem>>, %arg2: memref<100x128xf32, #tpu.memory_space<vmem>>, %arg3: memref<1x100xf32, #tpu.memory_space<vmem>>, %arg4: memref<512x100xf32, #tpu.memory_space<vmem>>) attributes {dimension_semantics = [#tpu.dimension_semantics<arbitrary>], iteration_bounds = array<i64: 8>, scalar_prefetch = 0 : i64, scratch_operands = 0 : i64, tpu.core_type = #tpu.core_type<tc>, window_params = [{transform_indices = @transform_0, window_bounds = array<i64: 512, 128>}, {pipeline_mode = #tpu.pipeline_mode<synchronous>, transform_indices = @transform_1, window_bounds = array<i64: 100, 128>}, {pipeline_mode = #tpu.pipeline_mode<synchronous>, transform_indices = @transform_2, window_bounds = array<i64: 1, 100>}, {transform_indices = @transform_3, window_bounds = array<i64: 512, 100>}]} {
    %get3A = arith.constant 0 : index
    %get3A_0 = arith.constant 0 : index
    %get3A_1 = vector.load %arg1[%get3A, %get3A_0] : memref<512x128xf32, #tpu.memory_space<vmem>>, vector<512x128xf32>
    %get3A_2 = arith.constant 0 : index
    %get3A_3 = arith.constant 0 : index
    %get3A_4 = vector.load %arg2[%get3A_2, %get3A_3] : memref<100x128xf32, #tpu.memory_space<vmem>>, vector<100x128xf32>
    %dot_general3A = arith.constant dense<0.000000e+00> : vector<512x100xf32>
    %dot_general3A_5 = tpu.matmul %get3A_1, %get3A_4, %dot_general3A {dimension_numbers = #tpu.dot_dimension_numbers<[1], [1], [0], [0], [0, 0, 1, 0], [], []>, transpose_lhs_hint = false} : vector<512x128xf32>, vector<100x128xf32>, vector<512x100xf32> -> vector<512x100xf32>
    %get3A_6 = arith.constant 0 : index
    %get3A_7 = arith.constant 0 : index
    %get3A_8 = vector.load %arg3[%get3A_6, %get3A_7] : memref<1x100xf32, #tpu.memory_space<vmem>>, vector<1x100xf32>
    %add3A = vector.broadcast %get3A_8 : vector<1x100xf32> to vector<512x100xf32>
    %add3A_9 = arith.addf %dot_general3A_5, %add3A : vector<512x100xf32>
    %swap3A = arith.constant 0 : index
    %swap3A_10 = arith.constant 0 : index
    %swap3A_11 = vector.load %arg4[%swap3A, %swap3A_10] : memref<512x100xf32, #tpu.memory_space<vmem>>, vector<512x100xf32>
    tpu.vector_store %arg4[%swap3A, %swap3A_10], %add3A_9 {strides = array<i32>} : memref<512x100xf32, #tpu.memory_space<vmem>>, vector<512x100xf32>,
    return
  }
  func.func @transform_0(%arg0: i32) -> (i32, i32) {
    %c0_i32 = arith.constant 0 : i32
    %c0_i32_0 = arith.constant 0 : i32
    return %arg0, %c0_i32 : i32, i32
  }
  func.func @transform_1(%arg0: i32) -> (i32, i32) {
    %c0_i32 = arith.constant 0 : i32
    %c0_i32_0 = arith.constant 0 : i32
    %c0_i32_1 = arith.constant 0 : i32
    return %c0_i32, %c0_i32_0 : i32, i32
  }
  func.func @transform_2(%arg0: i32) -> (i32, i32) {
    %c0_i32 = arith.constant 0 : i32
    %c0_i32_0 = arith.constant 0 : i32
    %c0_i32_1 = arith.constant 0 : i32
    return %c0_i32, %c0_i32_0 : i32, i32
  }
  func.func @transform_3(%arg0: i32) -> (i32, i32) {
    %c0_i32 = arith.constant 0 : i32
    %c0_i32_0 = arith.constant 0 : i32
    return %arg0, %c0_i32 : i32, i32
  }
}

</mosaic_0001>

<sc_bundles>
// kernel: kernel.4.cloned.1.call-start
scs
__scs_entry_jumppad:
0x0: {  	(pc) =	sbr.rel $0x88, $3  }
0x1: {  	(tag) =	ssettag $0x0;
	lr =	simm.s32 $0x1  }
0x2: {  	[smem:$0x3F9D] =	sst lr;
	_ =	strace $0xD0000000  }
0x3: {  	_ = 	snop  }
0x4: {  	_ = 	snop  }
0x5: {  	_ = 	snop  }
0x6: {  	_ = 	snop  }
0x7: {  	_ = 	snop  }
__scs_overlays_trampoline_lowered:
0x8: {  	[smem:$0x3FAC] =	sst s0  }
0x9: {  	[smem:$0x3FAD] =	sst s1  }
0xa: {  	[smem:$0x3FAE] =	sst s2  }
0xb: {  	[smem:$0x3FAF] =	sst s3  }
0xc: {  	[smem:$0x3FB0] =	sst s4  }
0xd: {  	[smem:$0x3FB1] =	sst s5  }
0xe: {  	[smem:$0x3FB2] =	sst s6  }
0xf: {  	[smem:$0x3FB3] =	sst s7  }
0x10: {  	[smem:$0x3FB4] =	sst s8  }
0x11: {  	[smem:$0x3FB5] =	sst s9;
	s0 =	simm.s32 @!p0 $0x0  }
0x12: {  	s1 =	sld [smem:$0x3F9B];
	s0 =	simm.s32 @p0 $0x1  }
0x13: {  	[smem:$0x3FB6] =	sst s0;
	s0 =	simm.s32 @!p1 $0x0  }
0x14: {  	s2 =	sld [smem:$0x3F9A];
	s0 =	simm.s32 @p1 $0x1  }
0x15: {  	[smem:$0x3FB7] =	sst s0;
	s0 =	simm.s32 @!p2 $0x0  }
0x16: {  	s3 =	sld [smem:$0x3FDB];
	s0 =	simm.s32 @p2 $0x1  }
0x17: {  	s4 =	simm.s32 $0x1BF5;
	[smem:$0x3FB9] =	sst s0  }
0x18: {  	s0 =	sld [smem:$0x3F9C];
	_ =	swait.ge [sflag:s4], $0x0  }
0x19: {  	s7 =	sld [smem:$0x3F9D]  }
0x1a: {  	s8 =	sadd.s32 $0xFFFFE003, lr  }
0x1b: {  	s9 =	sadd.s32 $0xFFFFFEF7, lr;
	s5 =	simm.s32 $0xFFFFFFFF;
	p2 =	slt.u32 s8, $0xFFFFF086  }
0x1c: {  	p1 =	slt.u32 s9, $0xF7A;
	s5 =	simm.s32 @!p2 $0x0  }
0x1d: {  	s5 =	simm.s32 @p1 $0x1;
	p0 =	seq.s32 s7, s2  }
0x1e: {  	s7 =	smul.u32 @!p0 $0xF7A, s2;
	p2 =	seq.s32 @!p0 s5, $0x0  }
0x1f: {  	s9 =	smul.u32 $0xF7A, s1;
	s8 =	simm.s32 @!p0 $0x1BF5;
	p2 =	por !p2, p0  }
0x20: {  	[sflag:s8] =	ssyncset.s32 @!p0 $0xFFFFF086;
	s6 =	sadd.s32 @!p0 s3, s7;
	s7 =	simm.s32 @!p0 $0x108  }
0x21: {  	s3 =	sadd.s32 s3, s9;
	s6 =	sadd.s32 @!p0 $0x88, s6;
	s7 =	simm.s32 @p2 $0x1082  }
0x22: {  	[simem:s7], [sflag:s8] =	dma.local @!p0 [hbm:s6], $0xF7A  }
0x23: {  	s9 =	sor.u32 $0xD0000000, s2;
	s6 =	simm.s32 $0x108;
	_ =	swait.ge @!p0 [sflag:s8], $0x0  }
0x24: {  	s3 =	sadd.s32 $0x88, s3;
	s6 =	simm.s32 @!p1 $0x1082;
	[sflag:s4] =	ssyncset.s32 $0xFFFFF086  }
0x25: {  	[simem:s6], [sflag:s4] =	dma.local [hbm:s3], $0xF7A  }
0x26: {  	[smem:$0x3F9D] =	sst s1;
	(tag) =	ssettag s2;
	_ =	strace s9  }
0x27: {  	s1 =	sld [smem:$0x3FAD]  }
0x28: {  	s2 =	sld [smem:$0x3FAE]  }
0x29: {  	s4 =	sld [smem:$0x3FB0]  }
0x2a: {  	p0 =	seq.s32 s5, $0x0;
	s5 =	sld [smem:$0x3FB1]  }
0x2b: {  	s6 =	sld [smem:$0x3FB2]  }
0x2c: {  	s7 =	sld [smem:$0x3FB3]  }
0x2d: {  	s3 =	simm.s32 $0x108;
	s8 =	sld [smem:$0x3FB4]  }
0x2e: {  	s3 =	simm.s32 @!p0 $0x1082;
	s9 =	sld [smem:$0x3FB5]  }
0x2f: {  	lr =	sadd.s32 s0, s3;
	s0 =	sld [smem:$0x3FAC]  }
0x30: {  	s3 =	sld [smem:$0x3FAF]  }
0x31: {  	[smem:$0x3FB8] =	sst s10  }
0x32: {  	s10 =	sld [smem:$0x3FB6];
	_ =	sdelay $0x3  }
0x33: {  	p0 =	seq.s32 s10, $0x1;
	s10 =	sld [smem:$0x3FB8];
	_ =	sdelay $0x3  }
0x34: {  	[smem:$0x3FB8] =	sst s10  }
0x35: {  	s10 =	sld [smem:$0x3FB7];
	_ =	sdelay $0x3  }
0x36: {  	p1 =	seq.s32 s10, $0x1;
	s10 =	sld [smem:$0x3FB8];
	_ =	sdelay $0x3  }
0x37: {  	[smem:$0x3FB8] =	sst s10  }
0x38: {  	s10 =	sld [smem:$0x3FB9]  }
0x39: {  	_ = 	snop;
	(pc) =	sbr.ind lr, $3  }
0x3a: {  	_ = 	snop  }
0x3b: {  	_ = 	snop  }
0x3c: {  	p2 =	seq.s32 s10, $0x1;
	s10 =	sld [smem:$0x3FB8]  }
0x3d: {  	_ =	shalt  }
0x3e: {  	_ =	shalt  }
0x3f: {  	_ =	shalt  }
0x40: {  	_ =	shalt  }
0x41: {  	_ =	shalt  }
0x42: {  	_ =	shalt  }
0x43: {  	_ =	shalt  }
0x44: {  	_ =	shalt  }
0x45: {  	_ =	shalt  }
0x46: {  	_ =	shalt  }
0x47: {  	_ =	shalt  }
0x48: {  	_ =	shalt  }
0x49: {  	_ =	shalt  }
0x4a: {  	_ =	shalt  }
0x4b: {  	_ =	shalt  }
0x4c: {  	_ =	shalt  }
0x4d: {  	_ =	shalt  }
0x4e: {  	_ =	shalt  }
0x4f: {  	_ =	shalt  }
0x50: {  	_ =	shalt  }
0x51: {  	_ =	shalt  }
0x52: {  	_ =	shalt  }
0x53: {  	_ =	shalt  }
0x54: {  	_ =	shalt  }
0x55: {  	_ =	shalt  }
0x56: {  	_ =	shalt  }
0x57: {  	_ =	shalt  }
0x58: {  	_ =	shalt  }
0x59: {  	_ =	shalt  }
0x5a: {  	_ =	shalt  }
0x5b: {  	_ =	shalt  }
0x5c: {  	_ =	shalt  }
0x5d: {  	_ =	shalt  }
0x5e: {  	_ =	shalt  }
0x5f: {  	_ =	shalt  }
0x60: {  	_ =	shalt  }
0x61: {  	_ =	shalt  }
0x62: {  	_ =	shalt  }
0x63: {  	_ =	shalt  }
0x64: {  	_ =	shalt  }
0x65: {  	_ =	shalt  }
0x66: {  	_ =	shalt  }
0x67: {  	_ =	shalt  }
0x68: {  	_ =	shalt  }
0x69: {  	_ =	shalt  }
0x6a: {  	_ =	shalt  }
0x6b: {  	_ =	shalt  }
0x6c: {  	_ =	shalt  }
0x6d: {  	_ =	shalt  }
0x6e: {  	_ =	shalt  }
0x6f: {  	_ =	shalt  }
0x70: {  	_ =	shalt  }
0x71: {  	_ =	shalt  }
0x72: {  	_ =	shalt  }
0x73: {  	_ =	shalt  }
0x74: {  	_ =	shalt  }
0x75: {  	_ =	shalt  }
0x76: {  	_ =	shalt  }
0x77: {  	_ =	shalt  }
0x78: {  	_ =	shalt  }
0x79: {  	_ =	shalt  }
0x7a: {  	_ =	shalt  }
0x7b: {  	_ =	shalt  }
0x7c: {  	_ =	shalt  }
0x7d: {  	_ =	shalt  }
0x7e: {  	_ =	shalt  }
0x7f: {  	_ =	shalt  }
0x80: {  	_ =	shalt  }
0x81: {  	_ =	shalt  }
0x82: {  	_ =	shalt  }
0x83: {  	_ =	shalt  }
0x84: {  	_ =	shalt  }
0x85: {  	_ =	shalt  }
0x86: {  	_ =	shalt  }
0x87: {  	_ =	shalt  }
.Lfunc_end0:
.L_simem_size_0:
called_computation_lowered:
.L_overlay_start_0:
0x88: {  	s2 =	sld [smem:$0x3FD9]  }
0x89: {  	s3 =	sld [smem:$0x3FFE];
	_ =	sdelay $0x1  }
0x8a: {  	s1 =	srdreg.scid  }
0x8b: {  	s0 =	sand.u32 $0x1, s1  }
0x8c: {  	s17 =	sshll.u32 s0, $0xA;
	s2 =	sadd.s32 s3, s2  }
0x8d: {  	s2 =	sadd.s32 s2, s17  }
0x8e: {  	[smem:$0x3FC4] =	sst s2  }
0x8f: {  	_ = 	snop  }
0x90: {  	s2 =	sld [smem:$0x3FC8];
	(tm) =	ssettm $0x1  }
0x91: {  	s18 =	sld [smem:$0x3FFB];
	_ =	sdelay $0x3  }
0x92: {  	_ =	strace s18  }
0x93: {  	s3 =	sld [smem:$0x3FFC];
	_ =	sdelay $0x3  }
0x94: {  	_ =	strace s3  }
0x95: {  	s3 =	sld [smem:$0x3FFD];
	_ =	sdelay $0x3  }
0x96: {  	_ =	strace s3  }
0x97: {  	_ =	strace $0x8FFFFFFF  }
0x98: {  	s19 =	sld [smem:$0x3FDB];
	_ =	sdelay $0x1  }
0x99: {  	s4 =	simm.s32 $_scs_section_size  }
0x9a: {  	s5 =	simm.s32 $_size__tile_overlayer_lowered;
	s6 =	simm.s32 $_tile_overlayer_lowered  }
0x9b: {  	s22 =	simm.s32 $0x1BFF;
	s21 =	sshll.u32 s6, $0x1;
	s3 =	sadd.s32 s4, s19  }
0x9c: {  	s7 =	simm.s32 $0x0;
	s20 =	sshll.u32 s5, $0x1;
	s5 =	sadd.s32 s21, s3  }
0x9d: {  	[timem:s7], [sflag:s22] =	dma.local [hbm:s5], s20  }
0x9e: {  	_ =	swait.ge [sflag:s22], s20  }
0x9f: {  	s4 =	ssub.s32 $0x0, s20;
	[sflag:s22] =	ssyncset.done $0x0  }
0xa0: {  	[sflag:s22] =	ssyncadd.s32 s4;
	_ =	sdelay $0x1  }
0xa1: {  	s23 =	simm.s32 $0x1B8B  }
0xa2: {  	_ =	swait.ge [sflag:s23], $0x1  }
0xa3: {  	[sflag:s23] =	ssyncset.done $0x0  }
0xa4: {  	s25 =	simm.s32 $0x1B8E;
	s24 =	sld [smem:$0x3FFE];
	[sflag:s23] =	ssyncadd.s32 $0xFFFFFFFF  }
0xa5: {  	s26 =	simm.s32 $execute0_lowered;
	[smem:$0x3FD2] =	sst s25  }
0xa6: {  	s5 =	sshll.u32 s26, $0x1;
	_ =	strace $0x80000046;
	[dreg:$0x1] =	wrdreg $0xFFFFFFFF  }
0xa7: {  	s28 =	simm.s32 $_size_execute0_lowered;
	s3 =	sadd.s32 s3, s5;
	[dreg:$0x0] =	wrdreg $0x0  }
0xa8: {  	s5 =	sshll.u32 s28, $0x1;
	[dreg:$0x2] =	wrdreg s3  }
0xa9: {  	[dreg:$0x3] =	wrdreg s5  }
0xaa: {  	[dreg:$0x4] =	wrdreg $0xC0  }
0xab: {  	_ =	task [dreg:s7], $0x5FFFF  }
0xac: {  	[dreg:$0x1] =	wrdreg $0xFFFFFFFF  }
0xad: {  	[dreg:$0x0] =	wrdreg $0x60  }
0xae: {  	[dreg:$0x2] =	wrdreg s24  }
0xaf: {  	[dreg:$0x3] =	wrdreg s2  }
0xb0: {  	[dreg:$0x4] =	wrdreg $0x9  }
0xb1: {  	_ =	task.clear_ibuf [dreg:s7], $0x5FFFF;
	_ =	strace $0x90000046  }
0xb2: {  	s29 =	simm.s32 $0x9;
	_ =	strace $0x80000048  }
0xb3: {  	_ =	swait.ge [sflag:s29], $0x1  }
0xb4: {  	[sflag:s29] =	ssyncadd.s32 $0xFFFFFFFF  }
0xb5: {  	_ =	strace $0x90000048  }
0xb6: {  	_ =	sfence  }
0xb7: {  	s30 =	sld [smem:$0x0];
	_ =	sdelay $0x2  }
0xb8: {  	s31 =	sshll.u32 s1, $0xD;
	s1 =	sshrl.u32 s1, $0x2  }
0xb9: {  	s3 =	sand.u32 $0x4000, s31;
	s1 =	sadd.s32 s1, s30  }
0xba: {  	s0 =	sor.u32 s3, s0;
	s1 =	sshll.u32 s1, $0x11  }
0xbb: {  	s0 =	sor.u32 s1, s0  }
0xbc: {  	s0 =	sadd.s32 $0x8F2B, s0  }
0xbd: {  	[sflag:s0] =	ssyncadd.remote.s32 $0x1  }
0xbe: {  	_ =	sfence.sel $0xFFFF  }
0xbf: {  	[dreg:$0x0] =	wrdreg $0xFFFFFFFF;
	(pc) =	sbr.abs _section_cstart, $3  }
0xc0: {  	[dreg:$0x1] =	wrdreg $0xFFFFFFFF  }
0xc1: {  	_ =	task.clear_ibuf [dreg:s7], $0x2FFFF;
	_ =	strace $0x9FFFFFFF  }
0xc2: {  	(tm) =	ssettm $0x7FFFFFFF  }
0xc3: {  	_ =	shalt  }
tec
execute0_lowered:
.L_overlay_start_1:
0x0: {  	(tag) =	ssettag $0x1  }
0x1: {  	s4 =	rddreg [dreg:$0x0]  }
0x2: {  	s2 =	rddreg [dreg:$0x1]  }
0x3: {  	s0 =	rddreg [dreg:$0x2];
	s5 =	srdreg.scid  }
0x4: {  	s3 =	simm.s32 $0x0;
	s1 =	stileid.u32;
	s9 =	simm.s32 $0x8000  }
0x5: {  	s10 =	simm.s32 $0x48;
	s11 =	simm.s32 $0x400;
	s12 =	simm.s32 $0xC000  }
0x6: {  	s13 =	simm.s32 $0xE400;
	s14 =	simm.s32 $0x480;
	s15 =	simm.s32 $0x12400  }
0x7: {  	s16 =	simm.s32 $0x100;
	s17 =	simm.s32 $0x14800;
	s18 =	simm.s32 $0x500  }
0x8: {  	s19 =	simm.s32 $0x18800;
	s20 =	simm.s32 $0x1;
	s21 =	simm.s32 $0x2  }
0x9: {  	s22 =	simm.s32 $0x3;
	s23 =	simm.s32 $0x1AC00;
	s5 =	sand.u32 $0x1, s5  }
0xa: {  	[smem:$0x7FF] =	sst s3;
	s6 =	sshll.u32 s1, $0x8;
	s7 =	sshll.u32 s5, $0x7  }
0xb: {  	s24 =	simm.s32 $0x0;
	_ =	strace $0x80000047;
	s6 =	sor.u32 s7, s6  }
0xc: {  	s5 =	ssub.s32 $0x2, s5;
	s7 =	sshll.u32 s6, $0x5;
	s6 =	sshll.u32 s6, $0x4  }
0xd: {  	s8 =	sshrl.u32 s5, $0x1;
	s7 =	sadd.s32 s7, s4;
	s6 =	sadd.s32 s6, s4  }
0xe: {  	s8 =	ssub.s32 s5, s8;
	s4 =	sadd.s32 $0xA00, s7;
	s5 =	sadd.s32 $0x20A00, s6  }
0xf: {  	s6 =	smax.u32 s8, $0x1;
	s7 =	simm.s32 $0x4;
	s8 =	simm.s32 $0x80  }
.LBB2_1:
0x10: {  	[tilespmem:s3], [sflag:$0x4] =	stream.linear.gather [hbm4b:s4+s3], $0x8000, $0x38;
	[tilespmem:$0x1EC00] =	vst v63  }
0x11: {  	_ =	swait.ge [sflag:s7], $0x8000  }
0x12: {  	[sflag:s7] =	ssyncset.done $0x0  }
0x13: {  	[sflag:s7] =	ssyncadd.s32 $0xFFFF8000  }
0x14: {  	[tilespmem:s9], [sflag:$0x1] =	stream.indirect.gather [hbm4b:s2+s8], $0x80, s3, s8, $0xb8;
	[tilespmem:$0x1EC00] =	vst v63  }
0x15: {  	_ = 	snop  }
0x16: {  	[tilespmem:s12], [sflag:$0x1] =	stream.indirect.gather [hbm4b:s2+s10], $0x80, s11, s10, $0xb8;
	[tilespmem:$0x1EC00] =	vst v63  }
0x17: {  	_ = 	snop  }
0x18: {  	[tilespmem:s13], [sflag:$0x2] =	stream.indirect.gather [hbm4b:s2+s8], $0x80, s8, s8, $0xb8;
	[tilespmem:$0x1EC00] =	vst v63  }
0x19: {  	_ = 	snop  }
0x1a: {  	[tilespmem:s15], [sflag:$0x2] =	stream.indirect.gather [hbm4b:s2+s10], $0x80, s14, s10, $0xb8;
	[tilespmem:$0x1EC00] =	vst v63  }
0x1b: {  	_ = 	snop  }
0x1c: {  	[tilespmem:s17], [sflag:$0x3] =	stream.indirect.gather [hbm4b:s2+s8], $0x80, s16, s8, $0xb8;
	[tilespmem:$0x1EC00] =	vst v63  }
0x1d: {  	s25 =	simm.s32 $0x0  }
0x1e: {  	[tilespmem:s19], [sflag:$0x3] =	stream.indirect.gather [hbm4b:s2+s10], $0x80, s18, s10, $0xb8;
	[tilespmem:$0x1EC00] =	vst v63  }
.LBB2_2:
0x1f: {  	_ =	swait.ge [sflag:s20], $0x6400  }
0x20: {  	[sflag:s20] =	ssyncset.done $0x0  }
0x21: {  	s29 =	simm.s32 $0x0;
	[sflag:s20] =	ssyncadd.s32 $0xFFFF9C00  }
0x22: {  	v0 =	vld [tilespmem:s29+$0x8070]  }
0x23: {  	v1 =	vld [tilespmem:s29+$0x8000]  }
0x24: {  	v3 =	vld [tilespmem:s29+$0x8010]  }
0x25: {  	v12 =	vld [tilespmem:s29+$0x8020]  }
0x26: {  	v11 =	vld [tilespmem:s29+$0x8030]  }
0x27: {  	v2 =	vimm.f32 $0.0e+00;
	v8 =	vimm.f32 $0.0e+00;
	v5 =	vld [tilespmem:s29+$0x8040]  }
0x28: {  	v9 =	vimm.f32 $0.0e+00;
	v6 =	vld [tilespmem:s29+$0x8050];
	v0 =	vadd.f32 v0, v2;
	v7 =	vadd.f32 v1, v2  }
0x29: {  	s26 =	simm.s32 $0x80;
	s28 =	simm.s32 $0x400;
	v10 =	vld [tilespmem:s29+$0x8060];
	v4 =	vadd.f32 v3, v2;
	v3 =	vimm.f32 $0.0e+00;
	v1 =	vimm.f32 $0.0e+00  }
.LBB2_3:
0x2a: {  	p0 =	sne.s32 s28, $0x18E00;
	v13 =	vld [tilespmem:s26+$0x8070];
	v2 =	vadd.f32 v12, v2  }
0x2b: {  	v14 =	vld [tilespmem:s26+$0x8000];
	v8 =	vadd.f32 v11, v8  }
0x2c: {  	v15 =	vld [tilespmem:s26+$0x8010];
	v9 =	vadd.f32 v5, v9  }
.Ltmp0:
0x2d: {  	v12 =	vld [tilespmem:s26+$0x8020];
	v3 =	vadd.f32 v6, v3;
	(pc) =	sbr.rel @p0 .LBB2_3-.Ltmp0, $4  }
0x2e: {  	v11 =	vld [tilespmem:s26+$0x8030];
	v1 =	vadd.f32 v10, v1  }
0x2f: {  	v5 =	vld [tilespmem:s26+$0x8040];
	v0 =	vadd.f32 v13, v0  }
0x30: {  	v7 =	vadd.f32 v14, v7;
	v6 =	vld [tilespmem:s26+$0x8050]  }
0x31: {  	v4 =	vadd.f32 v15, v4;
	v10 =	vld [tilespmem:s26+$0x8060];
	s26 =	sshra.s32 s28, $0x2;
	s28 =	sadd.s32 $0x200, s28  }
0x32: {  	v13 =	vld [tilespmem:s26+$0x8000]  }
0x33: {  	v14 =	vld [tilespmem:s26+$0x8010]  }
0x34: {  	v15 =	vld [tilespmem:s26+$0x8020]  }
0x35: {  	v2 =	vadd.f32 v12, v2;
	v12 =	vld [tilespmem:s26+$0x8050]  }
0x36: {  	v8 =	vadd.f32 v11, v8;
	v11 =	vld [tilespmem:s26+$0x8060]  }
0x37: {  	v16 =	vld [tilespmem:s26+$0x8030];
	v5 =	vadd.f32 v5, v9;
	v7 =	vadd.f32 v13, v7  }
0x38: {  	v17 =	vld [tilespmem:s26+$0x8040];
	s28 =	smul.u32 $0x600, s25;
	v3 =	vadd.f32 v6, v3;
	v4 =	vadd.f32 v14, v4  }
0x39: {  	v9 =	vld [tilespmem:s26+$0x8070];
	v1 =	vadd.f32 v10, v1;
	v2 =	vadd.f32 v15, v2;
	v7 =	vmul.f32 $4.999999890e-03, v7  }
0x3a: {  	s26 =	sshra.s32 s28, $0x2;
	v3 =	vadd.f32 v12, v3;
	v4 =	vmul.f32 $4.999999890e-03, v4  }
0x3b: {  	v1 =	vadd.f32 v11, v1;
	v2 =	vmul.f32 $4.999999890e-03, v2;
	[tilespmem:s26+$0x1AC00] =	vst v7  }
0x3c: {  	v6 =	vadd.f32 v16, v8;
	v3 =	vmul.f32 $4.999999890e-03, v3;
	[tilespmem:s26+$0x1AC10] =	vst v4  }
0x3d: {  	s28 =	smul.u32 $0x3, s25;
	v5 =	vadd.f32 v17, v5;
	v1 =	vmul.f32 $4.999999890e-03, v1;
	[tilespmem:s26+$0x1AC20] =	vst v2  }
0x3e: {  	v0 =	vadd.f32 v9, v0;
	v4 =	vmul.f32 $4.999999890e-03, v6;
	[tilespmem:s26+$0x1AC50] =	vst v3  }
0x3f: {  	s29 =	sadd.s32 $0x3, s28;
	v2 =	vmul.f32 $4.999999890e-03, v5;
	[tilespmem:s26+$0x1AC60] =	vst v1  }
0x40: {  	s30 =	sshll.u32 s29, $0x8;
	s29 =	sshll.u32 s29, $0x7;
	v0 =	vmul.f32 $4.999999890e-03, v0;
	[tilespmem:s26+$0x1AC30] =	vst v4  }
0x41: {  	s30 =	sand.u32 $0x1F800, s30;
	s29 =	sand.u32 $0x380, s29;
	[tilespmem:s26+$0x1AC40] =	vst v2  }
0x42: {  	s29 =	sor.u32 s29, s30;
	[tilespmem:s26+$0x1AC70] =	vst v0  }
0x43: {  	[tilespmem:s9], [sflag:$0x1] =	stream.indirect.gather [hbm4b:s2+s8], $0x80, s29, s8, $0xb8;
	[tilespmem:$0x1EC00] =	vst v63  }
0x44: {  	s29 =	sor.u32 $0x400, s29  }
0x45: {  	[tilespmem:s12], [sflag:$0x1] =	stream.indirect.gather [hbm4b:s2+s10], $0x80, s29, s10, $0xb8;
	[tilespmem:$0x1EC00] =	vst v63  }
0x46: {  	_ =	swait.ge [sflag:s21], $0x6400  }
0x47: {  	[sflag:s21] =	ssyncset.done $0x0  }
0x48: {  	s31 =	simm.s32 $0x0;
	[sflag:s21] =	ssyncadd.s32 $0xFFFF9C00  }
0x49: {  	v0 =	vld [tilespmem:s31+$0xE470]  }
0x4a: {  	v2 =	vld [tilespmem:s31+$0xE400]  }
0x4b: {  	v3 =	vld [tilespmem:s31+$0xE410]  }
0x4c: {  	v12 =	vld [tilespmem:s31+$0xE420]  }
0x4d: {  	v10 =	vld [tilespmem:s31+$0xE430]  }
0x4e: {  	v9 =	vimm.f32 $0.0e+00;
	v1 =	vimm.f32 $0.0e+00;
	v7 =	vld [tilespmem:s31+$0xE440]  }
0x4f: {  	v6 =	vimm.f32 $0.0e+00;
	v8 =	vld [tilespmem:s31+$0xE450];
	v0 =	vadd.f32 v0, v1;
	v5 =	vadd.f32 v2, v1  }
0x50: {  	s30 =	simm.s32 $0x400;
	s29 =	simm.s32 $0x80;
	v11 =	vld [tilespmem:s31+$0xE460];
	v4 =	vadd.f32 v3, v1;
	v3 =	vimm.f32 $0.0e+00;
	v2 =	vimm.f32 $0.0e+00  }
.LBB2_5:
0x51: {  	p0 =	sne.s32 s30, $0x18E00;
	v13 =	vld [tilespmem:s29+$0xE470];
	v1 =	vadd.f32 v12, v1  }
0x52: {  	v14 =	vld [tilespmem:s29+$0xE400];
	v6 =	vadd.f32 v10, v6  }
0x53: {  	v15 =	vld [tilespmem:s29+$0xE410];
	v9 =	vadd.f32 v7, v9  }
.Ltmp1:
0x54: {  	v12 =	vld [tilespmem:s29+$0xE420];
	v3 =	vadd.f32 v8, v3;
	(pc) =	sbr.rel @p0 .LBB2_5-.Ltmp1, $4  }
0x55: {  	v10 =	vld [tilespmem:s29+$0xE430];
	v2 =	vadd.f32 v11, v2  }
0x56: {  	v7 =	vld [tilespmem:s29+$0xE440];
	v0 =	vadd.f32 v13, v0  }
0x57: {  	v5 =	vadd.f32 v14, v5;
	v8 =	vld [tilespmem:s29+$0xE450]  }
0x58: {  	v4 =	vadd.f32 v15, v4;
	v11 =	vld [tilespmem:s29+$0xE460];
	s29 =	sshra.s32 s30, $0x2;
	s30 =	sadd.s32 $0x200, s30  }
0x59: {  	v13 =	vld [tilespmem:s29+$0xE400]  }
0x5a: {  	v14 =	vld [tilespmem:s29+$0xE410]  }
0x5b: {  	v15 =	vld [tilespmem:s29+$0xE420]  }
0x5c: {  	v1 =	vadd.f32 v12, v1;
	v12 =	vld [tilespmem:s29+$0xE450]  }
0x5d: {  	v16 =	vld [tilespmem:s29+$0xE430]  }
0x5e: {  	v17 =	vld [tilespmem:s29+$0xE440];
	v7 =	vadd.f32 v7, v9;
	v5 =	vadd.f32 v13, v5  }
0x5f: {  	v9 =	vld [tilespmem:s29+$0xE470];
	v3 =	vadd.f32 v8, v3;
	v4 =	vadd.f32 v14, v4  }
0x60: {  	v6 =	vadd.f32 v10, v6;
	v10 =	vld [tilespmem:s29+$0xE460];
	v1 =	vadd.f32 v15, v1;
	v5 =	vmul.f32 $4.999999890e-03, v5  }
0x61: {  	v3 =	vadd.f32 v12, v3;
	v4 =	vmul.f32 $4.999999890e-03, v4  }
0x62: {  	v6 =	vadd.f32 v16, v6;
	v1 =	vmul.f32 $4.999999890e-03, v1;
	[tilespmem:s26+$0x1AC80] =	vst v5  }
0x63: {  	v2 =	vadd.f32 v11, v2;
	v7 =	vadd.f32 v17, v7;
	v3 =	vmul.f32 $4.999999890e-03, v3;
	[tilespmem:s26+$0x1AC90] =	vst v4  }
0x64: {  	v0 =	vadd.f32 v9, v0;
	v4 =	vmul.f32 $4.999999890e-03, v6;
	[tilespmem:s26+$0x1ACA0] =	vst v1  }
0x65: {  	v2 =	vadd.f32 v10, v2;
	v1 =	vmul.f32 $4.999999890e-03, v7;
	[tilespmem:s26+$0x1ACD0] =	vst v3  }
0x66: {  	s29 =	sadd.s32 $0x4, s28;
	v0 =	vmul.f32 $4.999999890e-03, v0;
	[tilespmem:s26+$0x1ACB0] =	vst v4  }
0x67: {  	s30 =	sshll.u32 s29, $0x8;
	s29 =	sshll.u32 s29, $0x7;
	[tilespmem:s26+$0x1ACC0] =	vst v1;
	v1 =	vmul.f32 $4.999999890e-03, v2  }
0x68: {  	s30 =	sand.u32 $0x1F800, s30;
	s29 =	sand.u32 $0x380, s29;
	[tilespmem:s26+$0x1ACF0] =	vst v0  }
0x69: {  	s29 =	sor.u32 s29, s30;
	[tilespmem:s26+$0x1ACE0] =	vst v1  }
0x6a: {  	[tilespmem:s13], [sflag:$0x2] =	stream.indirect.gather [hbm4b:s2+s8], $0x80, s29, s8, $0xb8;
	[tilespmem:$0x1EC00] =	vst v63  }
0x6b: {  	s29 =	sor.u32 $0x400, s29  }
0x6c: {  	[tilespmem:s15], [sflag:$0x2] =	stream.indirect.gather [hbm4b:s2+s10], $0x80, s29, s10, $0xb8;
	[tilespmem:$0x1EC00] =	vst v63  }
0x6d: {  	_ =	swait.ge [sflag:s22], $0x6400  }
0x6e: {  	[sflag:s22] =	ssyncset.done $0x0  }
0x6f: {  	s31 =	simm.s32 $0x0;
	[sflag:s22] =	ssyncadd.s32 $0xFFFF9C00  }
0x70: {  	v0 =	vld [tilespmem:s31+$0x14870]  }
0x71: {  	v2 =	vld [tilespmem:s31+$0x14800]  }
0x72: {  	v3 =	vld [tilespmem:s31+$0x14810]  }
0x73: {  	v12 =	vld [tilespmem:s31+$0x14820]  }
0x74: {  	v10 =	vld [tilespmem:s31+$0x14830]  }
0x75: {  	v9 =	vimm.f32 $0.0e+00;
	v1 =	vimm.f32 $0.0e+00;
	v7 =	vld [tilespmem:s31+$0x14840]  }
0x76: {  	v6 =	vimm.f32 $0.0e+00;
	v8 =	vld [tilespmem:s31+$0x14850];
	v0 =	vadd.f32 v0, v1;
	v5 =	vadd.f32 v2, v1  }
0x77: {  	s30 =	simm.s32 $0x400;
	s29 =	simm.s32 $0x80;
	v11 =	vld [tilespmem:s31+$0x14860];
	v4 =	vadd.f32 v3, v1;
	v3 =	vimm.f32 $0.0e+00;
	v2 =	vimm.f32 $0.0e+00  }
.LBB2_7:
0x78: {  	p0 =	sne.s32 s30, $0x18E00;
	v13 =	vld [tilespmem:s29+$0x14870];
	v1 =	vadd.f32 v12, v1  }
0x79: {  	v14 =	vld [tilespmem:s29+$0x14800];
	v6 =	vadd.f32 v10, v6  }
0x7a: {  	v15 =	vld [tilespmem:s29+$0x14810];
	v9 =	vadd.f32 v7, v9  }
.Ltmp2:
0x7b: {  	v12 =	vld [tilespmem:s29+$0x14820];
	v3 =	vadd.f32 v8, v3;
	(pc) =	sbr.rel @p0 .LBB2_7-.Ltmp2, $4  }
0x7c: {  	v10 =	vld [tilespmem:s29+$0x14830];
	v2 =	vadd.f32 v11, v2  }
0x7d: {  	v7 =	vld [tilespmem:s29+$0x14840];
	v0 =	vadd.f32 v13, v0  }
0x7e: {  	v5 =	vadd.f32 v14, v5;
	v8 =	vld [tilespmem:s29+$0x14850]  }
0x7f: {  	v4 =	vadd.f32 v15, v4;
	v11 =	vld [tilespmem:s29+$0x14860];
	s29 =	sshra.s32 s30, $0x2;
	s30 =	sadd.s32 $0x200, s30  }
0x80: {  	v13 =	vld [tilespmem:s29+$0x14800]  }
0x81: {  	v14 =	vld [tilespmem:s29+$0x14810]  }
0x82: {  	v15 =	vld [tilespmem:s29+$0x14820]  }
0x83: {  	v16 =	vld [tilespmem:s29+$0x14830]  }
0x84: {  	v17 =	vld [tilespmem:s29+$0x14840]  }
0x85: {  	v1 =	vadd.f32 v12, v1;
	v58 =	vld [tilespmem:s29+$0x14850];
	v5 =	vadd.f32 v13, v5  }
0x86: {  	v60 =	vld [tilespmem:s29+$0x14870];
	v6 =	vadd.f32 v10, v6;
	v4 =	vadd.f32 v14, v4  }
0x87: {  	v59 =	vld [tilespmem:s29+$0x14860];
	v7 =	vadd.f32 v7, v9;
	v1 =	vadd.f32 v15, v1;
	v5 =	vmul.f32 $4.999999890e-03, v5  }
0x88: {  	v3 =	vadd.f32 v8, v3;
	v6 =	vadd.f32 v16, v6;
	v4 =	vmul.f32 $4.999999890e-03, v4  }
0x89: {  	v7 =	vadd.f32 v17, v7;
	v1 =	vmul.f32 $4.999999890e-03, v1;
	[tilespmem:s26+$0x1AD00] =	vst v5  }
0x8a: {  	v2 =	vadd.f32 v11, v2;
	v3 =	vadd.f32 v58, v3;
	v61 =	vmul.f32 $4.999999890e-03, v6;
	[tilespmem:s26+$0x1AD10] =	vst v4  }
0x8b: {  	p0 =	seq.s32 s25, $0x29;
	v0 =	vadd.f32 v60, v0;
	v62 =	vmul.f32 $4.999999890e-03, v7;
	[tilespmem:s26+$0x1AD20] =	vst v1  }
.Ltmp3:
0x8c: {  	v2 =	vadd.f32 v59, v2;
	v3 =	vmul.f32 $4.999999890e-03, v3;
	[tilespmem:s26+$0x1AD30] =	vst v61;
	(pc) =	sbr.rel @p0 .LBB2_10-.Ltmp3, $4  }
0x8d: {  	v0 =	vmul.f32 $4.999999890e-03, v0;
	[tilespmem:s26+$0x1AD40] =	vst v62  }
0x8e: {  	v63 =	vmul.f32 $4.999999890e-03, v2;
	[tilespmem:s26+$0x1AD50] =	vst v3  }
0x8f: {  	[tilespmem:s26+$0x1AD70] =	vst v0  }
0x90: {  	[tilespmem:s26+$0x1AD60] =	vst v63  }
0x91: {  	s26 =	sadd.s32 $0x5, s28  }
0x92: {  	s28 =	sshll.u32 s26, $0x8;
	s26 =	sshll.u32 s26, $0x7  }
.Ltmp4:
0x93: {  	s28 =	sand.u32 $0x1F800, s28;
	s26 =	sand.u32 $0x380, s26;
	(pc) =	sbr.rel .LBB2_2-.Ltmp4, $4  }
0x94: {  	s26 =	sor.u32 s26, s28  }
0x95: {  	[tilespmem:s17], [sflag:$0x3] =	stream.indirect.gather [hbm4b:s2+s8], $0x80, s26, s8, $0xb8;
	[tilespmem:$0x1EC00] =	vst v63  }
0x96: {  	s25 =	sadd.s32 $0x1, s25;
	s26 =	sor.u32 $0x400, s26  }
0x97: {  	[tilespmem:s19], [sflag:$0x3] =	stream.indirect.gather [hbm4b:s2+s10], $0x80, s26, s10, $0xb8;
	[tilespmem:$0x1EC00] =	vst v63  }
.LBB2_10:
0x98: {  	_ =	swait.ge [sflag:s20], $0x6400  }
0x99: {  	[sflag:s20] =	ssyncset.done $0x0  }
0x9a: {  	s28 =	simm.s32 $0x0;
	[sflag:s20] =	ssyncadd.s32 $0xFFFF9C00  }
0x9b: {  	v0 =	vld [tilespmem:s28+$0x8070]  }
0x9c: {  	v2 =	vld [tilespmem:s28+$0x8000]  }
0x9d: {  	v3 =	vld [tilespmem:s28+$0x8010]  }
0x9e: {  	v12 =	vld [tilespmem:s28+$0x8020]  }
0x9f: {  	v10 =	vld [tilespmem:s28+$0x8030]  }
0xa0: {  	v1 =	vimm.f32 $0.0e+00;
	v6 =	vimm.f32 $0.0e+00;
	v7 =	vld [tilespmem:s28+$0x8040]  }
0xa1: {  	v9 =	vimm.f32 $0.0e+00;
	v8 =	vld [tilespmem:s28+$0x8050];
	v0 =	vadd.f32 v0, v1;
	v5 =	vadd.f32 v2, v1  }
0xa2: {  	s25 =	simm.s32 $0x80;
	s26 =	simm.s32 $0x400;
	v11 =	vld [tilespmem:s28+$0x8060];
	v4 =	vadd.f32 v3, v1;
	v3 =	vimm.f32 $0.0e+00;
	v2 =	vimm.f32 $0.0e+00  }
.LBB2_11:
0xa3: {  	p0 =	sne.s32 s26, $0x18E00;
	v13 =	vld [tilespmem:s25+$0x8070];
	v1 =	vadd.f32 v12, v1  }
0xa4: {  	v14 =	vld [tilespmem:s25+$0x8000];
	v6 =	vadd.f32 v10, v6  }
0xa5: {  	v15 =	vld [tilespmem:s25+$0x8010];
	v9 =	vadd.f32 v7, v9  }
.Ltmp5:
0xa6: {  	v12 =	vld [tilespmem:s25+$0x8020];
	v3 =	vadd.f32 v8, v3;
	(pc) =	sbr.rel @p0 .LBB2_11-.Ltmp5, $4  }
0xa7: {  	v10 =	vld [tilespmem:s25+$0x8030];
	v2 =	vadd.f32 v11, v2  }
0xa8: {  	v7 =	vld [tilespmem:s25+$0x8040];
	v0 =	vadd.f32 v13, v0  }
0xa9: {  	v5 =	vadd.f32 v14, v5;
	v8 =	vld [tilespmem:s25+$0x8050]  }
0xaa: {  	v4 =	vadd.f32 v15, v4;
	v11 =	vld [tilespmem:s25+$0x8060];
	s25 =	sshra.s32 s26, $0x2;
	s26 =	sadd.s32 $0x200, s26  }
0xab: {  	v13 =	vld [tilespmem:s25+$0x8000]  }
0xac: {  	v14 =	vld [tilespmem:s25+$0x8010]  }
0xad: {  	v15 =	vld [tilespmem:s25+$0x8020]  }
0xae: {  	v1 =	vadd.f32 v12, v1;
	v12 =	vld [tilespmem:s25+$0x8050]  }
0xaf: {  	v16 =	vld [tilespmem:s25+$0x8030]  }
0xb0: {  	v17 =	vld [tilespmem:s25+$0x8040];
	v7 =	vadd.f32 v7, v9;
	v5 =	vadd.f32 v13, v5  }
0xb1: {  	v9 =	vld [tilespmem:s25+$0x8070];
	v3 =	vadd.f32 v8, v3;
	v4 =	vadd.f32 v14, v4  }
0xb2: {  	v6 =	vadd.f32 v10, v6;
	v10 =	vld [tilespmem:s25+$0x8060];
	v1 =	vadd.f32 v15, v1;
	v5 =	vmul.f32 $4.999999890e-03, v5  }
0xb3: {  	v3 =	vadd.f32 v12, v3;
	v4 =	vmul.f32 $4.999999890e-03, v4  }
0xb4: {  	v6 =	vadd.f32 v16, v6;
	v1 =	vmul.f32 $4.999999890e-03, v1;
	[tilespmem:$0x1EB00] =	vst v5  }
0xb5: {  	v2 =	vadd.f32 v11, v2;
	v7 =	vadd.f32 v17, v7;
	v3 =	vmul.f32 $4.999999890e-03, v3;
	[tilespmem:$0x1EB10] =	vst v4  }
0xb6: {  	v0 =	vadd.f32 v9, v0;
	v4 =	vmul.f32 $4.999999890e-03, v6;
	[tilespmem:$0x1EB20] =	vst v1  }
0xb7: {  	v2 =	vadd.f32 v10, v2;
	v1 =	vmul.f32 $4.999999890e-03, v7;
	[tilespmem:$0x1EB50] =	vst v3  }
0xb8: {  	v0 =	vmul.f32 $4.999999890e-03, v0;
	[tilespmem:$0x1EB30] =	vst v4  }
0xb9: {  	[tilespmem:$0x1EB40] =	vst v1;
	v1 =	vmul.f32 $4.999999890e-03, v2  }
0xba: {  	[tilespmem:$0x1EB70] =	vst v0  }
0xbb: {  	[tilespmem:$0x1EB60] =	vst v1  }
0xbc: {  	_ =	swait.ge [sflag:s21], $0x6400  }
0xbd: {  	[sflag:s21] =	ssyncset.done $0x0  }
0xbe: {  	s28 =	simm.s32 $0x0;
	[sflag:s21] =	ssyncadd.s32 $0xFFFF9C00  }
0xbf: {  	v0 =	vld [tilespmem:s28+$0xE470]  }
0xc0: {  	v2 =	vld [tilespmem:s28+$0xE400]  }
0xc1: {  	v3 =	vld [tilespmem:s28+$0xE410]  }
0xc2: {  	v12 =	vld [tilespmem:s28+$0xE420]  }
0xc3: {  	v10 =	vld [tilespmem:s28+$0xE430]  }
0xc4: {  	v9 =	vimm.f32 $0.0e+00;
	v1 =	vimm.f32 $0.0e+00;
	v7 =	vld [tilespmem:s28+$0xE440]  }
0xc5: {  	v6 =	vimm.f32 $0.0e+00;
	v8 =	vld [tilespmem:s28+$0xE450];
	v0 =	vadd.f32 v0, v1;
	v5 =	vadd.f32 v2, v1  }
0xc6: {  	s26 =	simm.s32 $0x400;
	s25 =	simm.s32 $0x80;
	v11 =	vld [tilespmem:s28+$0xE460];
	v4 =	vadd.f32 v3, v1;
	v3 =	vimm.f32 $0.0e+00;
	v2 =	vimm.f32 $0.0e+00  }
.LBB2_13:
0xc7: {  	p0 =	sne.s32 s26, $0x18E00;
	v13 =	vld [tilespmem:s25+$0xE470];
	v1 =	vadd.f32 v12, v1  }
0xc8: {  	v14 =	vld [tilespmem:s25+$0xE400];
	v6 =	vadd.f32 v10, v6  }
0xc9: {  	v15 =	vld [tilespmem:s25+$0xE410];
	v9 =	vadd.f32 v7, v9  }
.Ltmp6:
0xca: {  	v12 =	vld [tilespmem:s25+$0xE420];
	v3 =	vadd.f32 v8, v3;
	(pc) =	sbr.rel @p0 .LBB2_13-.Ltmp6, $4  }
0xcb: {  	v10 =	vld [tilespmem:s25+$0xE430];
	v2 =	vadd.f32 v11, v2  }
0xcc: {  	v7 =	vld [tilespmem:s25+$0xE440];
	v0 =	vadd.f32 v13, v0  }
0xcd: {  	v5 =	vadd.f32 v14, v5;
	v8 =	vld [tilespmem:s25+$0xE450]  }
0xce: {  	v4 =	vadd.f32 v15, v4;
	v11 =	vld [tilespmem:s25+$0xE460];
	s25 =	sshra.s32 s26, $0x2;
	s26 =	sadd.s32 $0x200, s26  }
0xcf: {  	v13 =	vld [tilespmem:s25+$0xE400]  }
0xd0: {  	v14 =	vld [tilespmem:s25+$0xE410]  }
0xd1: {  	v15 =	vld [tilespmem:s25+$0xE420]  }
0xd2: {  	v16 =	vld [tilespmem:s25+$0xE430]  }
0xd3: {  	v17 =	vld [tilespmem:s25+$0xE440]  }
0xd4: {  	v1 =	vadd.f32 v12, v1;
	v58 =	vld [tilespmem:s25+$0xE450];
	v5 =	vadd.f32 v13, v5  }
0xd5: {  	v60 =	vld [tilespmem:s25+$0xE470];
	v6 =	vadd.f32 v10, v6;
	v4 =	vadd.f32 v14, v4  }
0xd6: {  	v59 =	vld [tilespmem:s25+$0xE460];
	v7 =	vadd.f32 v7, v9;
	v1 =	vadd.f32 v15, v1;
	v5 =	vmul.f32 $4.999999890e-03, v5  }
0xd7: {  	v3 =	vadd.f32 v8, v3;
	v6 =	vadd.f32 v16, v6;
	v4 =	vmul.f32 $4.999999890e-03, v4  }
0xd8: {  	v7 =	vadd.f32 v17, v7;
	v1 =	vmul.f32 $4.999999890e-03, v1;
	[tilespmem:$0x1EB80] =	vst v5  }
0xd9: {  	v2 =	vadd.f32 v11, v2;
	v3 =	vadd.f32 v58, v3;
	v61 =	vmul.f32 $4.999999890e-03, v6;
	[tilespmem:$0x1EB90] =	vst v4  }
0xda: {  	v0 =	vadd.f32 v60, v0;
	v62 =	vmul.f32 $4.999999890e-03, v7;
	[tilespmem:$0x1EBA0] =	vst v1  }
0xdb: {  	v2 =	vadd.f32 v59, v2;
	v3 =	vmul.f32 $4.999999890e-03, v3;
	[tilespmem:$0x1EBB0] =	vst v61  }
0xdc: {  	v0 =	vmul.f32 $4.999999890e-03, v0;
	[tilespmem:$0x1EBC0] =	vst v62  }
0xdd: {  	s24 =	sadd.s32 $0x1, s24;
	v63 =	vmul.f32 $4.999999890e-03, v2;
	[tilespmem:$0x1EBD0] =	vst v3  }
0xde: {  	p0 =	sne.s32 s24, s6;
	[tilespmem:$0x1EBF0] =	vst v0  }
.Ltmp7:
0xdf: {  	[tilespmem:$0x1EBE0] =	vst v63;
	(pc) =	sbr.rel @p0 .LBB2_1-.Ltmp7, $4  }
0xe0: {  	[hbm4b:s5+s3] =	stream.linear.scatter [tilespmem:s23], [sflag:$0x4], $0x4000, $0x38;
	[tilespmem:$0x1EC00] =	vst v63  }
0xe1: {  	_ =	swait.ge [sflag:s7], $0x4000  }
0xe2: {  	[sflag:s7] =	ssyncset.done $0x0  }
0xe3: {  	[sflag:s7] =	ssyncadd.s32 $0xFFFFC000  }
0xe4: {  	_ =	sfence.sel $0x180000  }
0xe5: {  	[bflag:$0x0] =	sbarrier.arrive $0xFFFF  }
0xe6: {  	p0 =	sne.s32 s1, $0x0;
	_ =	strace $0x90000047  }
0xe7: {  	s0 =	sadd.s32 @!p0 $0x100000, s0;
	[bflag:$0x2] =	sbarrier.arrive $0xFFFF  }
0xe8: {  	[sflag:s0] =	ssyncadd.tile.s32 @!p0 $0x1;
	_ =	shalt  }
.Lfunc_end2:
_tile_overlayer_lowered:
.L_overlay_start_2:
0xe9: {  	(tag) =	ssettag $0x2  }
0xea: {  	s0 =	rddreg [dreg:$0x0];
	s2 =	stileid.u32  }
0xeb: {  	s1 =	rddreg [dreg:$0x1];
	p0 =	sne.s32 s2, $0x0  }
0xec: {  	s3 =	rddreg [dreg:$0x2];
	[bflag:$0x3] =	sbarrier.arrive $0xFFFF;
	s2 =	simm.s32 @!p0 $0x1C04  }
0xed: {  	[timem:s3], [sflag:s2] =	dma.local @!p0 [hbm:s0], s1  }
0xee: {  	s0 =	simm.s32 @!p0 $0x4  }
0xef: {  	_ =	swait.ge @!p0 [sflag:s0], s1  }
0xf0: {  	s1 =	ssub.s32 @!p0 $0x0, s1;
	[sflag:s0] =	ssyncset.done @!p0 $0x0  }
0xf1: {  	[sflag:s0] =	ssyncadd.s32 @!p0 s1  }
0xf2: {  	[bflag:$0x3] =	sbarrier.arrive $0xFFFF  }
0xf3: {  	_ =	shalt  }

</sc_bundles>
